<compile_context>
chip_gen: v7x
topology: tpu7x:2x2x1
jax: 0.10.2.dev20260603
libtpu: 0.0.44.dev20260713+nightly
codegen_flags: <defaults>
</compile_context>

<pallas_src>
import functools

import numpy as np
import jax
import jax.numpy as jnp
from jax import lax
from jax.experimental import pallas as pl
from jax.experimental.pallas import tpu as pltpu, tpu_sc as plsc

_PROB = 0.25

_DROPPED_B16 = (7, 6, 3, 2)


@functools.lru_cache(maxsize=None)
def _dropped_ids(b):
    num = 1 if b == 1 else int(b * _PROB)
    if b == 16:
        return _DROPPED_B16[:num]
    with jax.ensure_compile_time_eval(), jax.default_device(jax.devices("cpu")[0]):
        perm = np.asarray(jax.random.permutation(jax.random.key(1), b))
    return tuple(int(x) for x in perm[:num])


def kernel(emb0):
    b, t, c, d = emb0.shape
    dropped = set(_dropped_ids(b))

    info = plsc.get_sparse_core_info()
    nw = info.num_cores * info.num_subcores
    wpb = nw // b
    tn = t // wpb
    ch = 64
    nch = tn // ch
    mesh = plsc.VectorSubcoreMesh(core_axis_name="c", subcore_axis_name="s")

    zeros = jnp.zeros((ch, c, d), emb0.dtype)

    @functools.partial(
        pl.kernel,
        out_type=jax.ShapeDtypeStruct((b, t, c, d), emb0.dtype),
        mesh=mesh,
        scratch_types=[
            pltpu.VMEM((ch, c, d), emb0.dtype),
            pltpu.VMEM((ch, c, d), emb0.dtype),
            pltpu.VMEM((ch, c, d), emb0.dtype),
            pltpu.SemaphoreType.DMA,
            pltpu.SemaphoreType.DMA,
            pltpu.SemaphoreType.DMA,
            pltpu.SemaphoreType.DMA,
            pltpu.SemaphoreType.DMA,
            pltpu.SemaphoreType.DMA,
        ],
    )
    def run(in_hbm, z_hbm, out_hbm, b0, b1, b2, i0, i1, i2, o0, o1, o2):
        wid = lax.axis_index("s") * info.num_cores + lax.axis_index("c")
        bw = wid // wpb
        h = wid % wpb
        t0 = h * tn
        is_drop = functools.reduce(
            jnp.logical_or, [bw == i for i in dropped], jnp.bool_(False)
        )
        is_last = h == wpb - 1
        bufs = (b0, b1, b2)
        isems = (i0, i1, i2)
        osems = (o0, o1, o2)
        nring = len(bufs)

        def src(i):
            return in_hbm.at[bw, pl.ds(t0 + i * ch, ch)]

        def dst(i):
            return out_hbm.at[bw, pl.ds(t0 + i * ch, ch)]

        @pl.when(jnp.logical_not(is_drop))
        def _copy():
            in_d = [None] * nch
            out_d = [None] * nch
            in_d[0] = pltpu.async_copy(src(0), bufs[0], isems[0])
            for i in range(nch):
                p = i % nring
                if i + 1 < nch:
                    q = (i + 1) % nring
                    if i + 1 >= nring:
                        out_d[i + 1 - nring].wait()
                    in_d[i + 1] = pltpu.async_copy(src(i + 1), bufs[q], isems[q])
                in_d[i].wait()
                out_d[i] = pltpu.async_copy(bufs[p], dst(i), osems[p])
            for j in range(max(0, nch - nring), nch):
                out_d[j].wait()

        @pl.when(is_drop)
        def _zero():
            pltpu.async_copy(z_hbm.at[pl.ds(0, ch)], b0, i0).wait()
            out_d = [pltpu.async_copy(b0, dst(i), o0) for i in range(nch - 1)]
            for d_ in out_d:
                d_.wait()

            @pl.when(jnp.logical_not(is_last))
            def _full_tail():
                pltpu.async_copy(b0, dst(nch - 1), o0).wait()

            @pl.when(is_last)
            def _partial_tail():
                pltpu.async_copy(
                    b0.at[pl.ds(0, ch - 1)],
                    out_hbm.at[bw, pl.ds(t0 + (nch - 1) * ch, ch - 1)],
                    o0,
                ).wait()
                pltpu.async_copy(
                    in_hbm.at[bw, pl.ds(t - 1, 1)], b1.at[pl.ds(0, 1)], i1
                ).wait()
                pltpu.async_copy(
                    b1.at[pl.ds(0, 1)], out_hbm.at[bw, pl.ds(t - 1, 1)], o1
                ).wait()

    return run(emb0, zeros)

# --- scband reference (transcript-rebuilt; emitter-appended) ---
"""Pipeline reference for scband-senor-dropout-8306466750664 (READ-ONLY COPY).

The authoritative reference and input builder live on the scoring server;
editing this copy changes nothing except your own understanding.
"""

import jax, jax.numpy as jnp
import numpy as np

PROB = 0.25

def setup_inputs(seed: int = 0) -> dict:
    key = jax.random.key(seed)
    emb0 = jax.random.normal(key, (16, 2048, 4, 128), dtype=jnp.float32)
    return {"emb0": emb0}

def reference(emb0):
    # Faithful translation of SenorDropout.forward for a single-element list input.
    # forward: pick num_samples_to_drop random batch indices (randperm), then
    # zero out embedding[indices, :t-1] via scatter-overwrite.
    b, t, c, d = emb0.shape
    num_samples_to_drop = 1 if b == 1 else int(b * PROB)
    # deterministic stand-in for torch.randperm(b)
    perm = jax.random.permutation(jax.random.key(1), b)
    indices = perm[:num_samples_to_drop]
    # embedding = _embedding.clone(); embedding[indices, :t-1] = 0
    out = emb0.at[indices, : t - 1].set(0.0)
    return out

if __name__ == "__main__":
    import jax
    _d = setup_inputs()
    print(jax.jit(kernel)(*tuple(_d.values())))

</pallas_src>

<mosaic_0001>
#map = affine_map<(d0, d1) -> (0, 0, 0, 0)>
#map1 = affine_map<(d0, d1) -> (0, 0, 0)>
module attributes {stable_mosaic.version = 14 : i64} {
  func.func @run(%arg0: i32, %arg1: i32, %arg2: memref<16x2048x4x128xf32, #tpu.memory_space<hbm>>, %arg3: memref<64x4x128xf32, #tpu.memory_space<hbm>>, %arg4: memref<16x2048x4x128xf32, #tpu.memory_space<hbm>>, %arg5: memref<64x4x128xf32, #tpu.memory_space<vmem>>, %arg6: memref<64x4x128xf32, #tpu.memory_space<vmem>>, %arg7: memref<64x4x128xf32, #tpu.memory_space<vmem>>, %arg8: memref<!tpu.dma_semaphore, #tpu.memory_space<semaphore_mem>>, %arg9: memref<!tpu.dma_semaphore, #tpu.memory_space<semaphore_mem>>, %arg10: memref<!tpu.dma_semaphore, #tpu.memory_space<semaphore_mem>>, %arg11: memref<!tpu.dma_semaphore, #tpu.memory_space<semaphore_mem>>, %arg12: memref<!tpu.dma_semaphore, #tpu.memory_space<semaphore_mem>>, %arg13: memref<!tpu.dma_semaphore, #tpu.memory_space<semaphore_mem>>) attributes {dimension_semantics = [#tpu.dimension_semantics<core_parallel>, #tpu.dimension_semantics<subcore_parallel>], iteration_bounds = array<i64: 2, 16>, scalar_prefetch = 0 : i64, scratch_operands = 9 : i64, tpu.core_type = #tpu.core_type<sc_vector_subcore>, window_params = [{transform_indices = #map}, {transform_indices = #map1}, {transform_indices = #map}]} {
    %mul3A = arith.constant 2 : i32
    %mul3A_0 = arith.muli %arg1, %mul3A : i32
    %add3A = arith.addi %mul3A_0, %arg0 : i32
    %jit3A = arith.constant 2 : i32
    %div3A = arith.divsi %add3A, %jit3A : i32
    %sign3A = arith.constant 0 : i32
    %sign3A_1 = arith.cmpi sgt, %add3A, %sign3A : i32
    %sign3A_2 = arith.extui %sign3A_1 : i1 to i32
    %sign3A_3 = arith.constant 0 : i32
    %sign3A_4 = arith.cmpi slt, %add3A, %sign3A_3 : i32
    %sign3A_5 = arith.extui %sign3A_4 : i1 to i32
    %sign3A_6 = arith.subi %sign3A_2, %sign3A_5 : i32
    %sign3A_7 = arith.constant 0 : i32
    %sign3A_8 = arith.cmpi sgt, %jit3A, %sign3A_7 : i32
    %sign3A_9 = arith.extui %sign3A_8 : i1 to i32
    %sign3A_10 = arith.constant 0 : i32
    %sign3A_11 = arith.cmpi slt, %jit3A, %sign3A_10 : i32
    %sign3A_12 = arith.extui %sign3A_11 : i1 to i32
    %sign3A_13 = arith.subi %sign3A_9, %sign3A_12 : i32
    %ne3A = arith.cmpi ne, %sign3A_6, %sign3A_13 : i32
    %rem3A = arith.remsi %add3A, %jit3A : i32
    %ne3A_14 = arith.constant 0 : i32
    %ne3A_15 = arith.cmpi ne, %rem3A, %ne3A_14 : i32
    %and3A = arith.andi %ne3A, %ne3A_15 : i1
    %sub3A = arith.constant 1 : i32
    %sub3A_16 = arith.subi %div3A, %sub3A : i32
    %select_n3A = arith.select %and3A, %sub3A_16, %div3A : i32
    %jit3A_17 = arith.constant 2 : i32
    %eq3A = arith.constant 0 : i32
    %eq3A_18 = arith.cmpi eq, %jit3A_17, %eq3A : i32
    %jit3A_19 = arith.constant 1 : i32
    %select_n3A_20 = arith.select %eq3A_18, %jit3A_19, %jit3A_17 : i32
    %rem3A_21 = arith.remsi %add3A, %select_n3A_20 : i32
    %ne3A_22 = arith.constant 0 : i32
    %ne3A_23 = arith.cmpi ne, %rem3A_21, %ne3A_22 : i32
    %lt3A = arith.constant 0 : i32
    %lt3A_24 = arith.cmpi slt, %rem3A_21, %lt3A : i32
    %lt3A_25 = arith.constant 0 : i32
    %lt3A_26 = arith.cmpi slt, %select_n3A_20, %lt3A_25 : i32
    %ne3A_27 = arith.xori %lt3A_24, %lt3A_26 : i1
    %and3A_28 = arith.andi %ne3A_27, %ne3A_23 : i1
    %add3A_29 = arith.addi %rem3A_21, %select_n3A_20 : i32
    %select_n3A_30 = arith.select %and3A_28, %add3A_29, %rem3A_21 : i32
    %mul3A_31 = arith.constant 1024 : i32
    %mul3A_32 = arith.muli %select_n3A_30, %mul3A_31 : i32
    %eq3A_33 = arith.constant 2 : i32
    %eq3A_34 = arith.cmpi eq, %select_n3A, %eq3A_33 : i32
    %eq3A_35 = arith.constant 3 : i32
    %eq3A_36 = arith.cmpi eq, %select_n3A, %eq3A_35 : i32
    %eq3A_37 = arith.constant 6 : i32
    %eq3A_38 = arith.cmpi eq, %select_n3A, %eq3A_37 : i32
    %eq3A_39 = arith.constant 7 : i32
    %eq3A_40 = arith.cmpi eq, %select_n3A, %eq3A_39 : i32
    %or3A = arith.constant false
    %or3A_41 = arith.ori %or3A, %eq3A_34 : i1
    %or3A_42 = arith.ori %or3A_41, %eq3A_36 : i1
    %or3A_43 = arith.ori %or3A_42, %eq3A_38 : i1
    %or3A_44 = arith.ori %or3A_43, %eq3A_40 : i1
    %eq3A_45 = arith.constant 1 : i32
    %eq3A_46 = arith.cmpi eq, %select_n3A_30, %eq3A_45 : i32
    %not3A = arith.constant true
    %not3A_47 = arith.xori %or3A_44, %not3A : i1
    %convert_element_type3A = arith.extui %not3A_47 : i1 to i32
    %cond3A = arith.constant 0 : i32
    %cond3A_48 = arith.cmpi ne, %convert_element_type3A, %cond3A : i32
    scf.if %cond3A_48 {
      %add3A_52 = arith.constant 0 : i32
      %add3A_53 = arith.addi %mul3A_32, %add3A_52 : i32
      %dma_start3A = arith.constant 0 : i32
      %dma_start3A_54 = arith.constant 0 : i32
      %dma_start3A_55 = tpu.memref_slice %arg2[%select_n3A, %add3A_53, %dma_start3A, %dma_start3A_54] : memref<16x2048x4x128xf32, #tpu.memory_space<hbm>> -> memref<1x64x4x128xf32, #tpu.memory_space<hbm>>
      %dma_start3A_56 = tpu.memref_squeeze %dma_start3A_55 : memref<1x64x4x128xf32, #tpu.memory_space<hbm>> -> memref<64x4x128xf32, #tpu.memory_space<hbm>>
      %dma_start3A_57 = arith.constant 0 : i32
      %dma_start3A_58 = arith.constant 0 : i32
      %dma_start3A_59 = tpu.memref_slice %arg2[%select_n3A, %add3A_53, %dma_start3A_57, %dma_start3A_58] : memref<16x2048x4x128xf32, #tpu.memory_space<hbm>> -> memref<1x64x4x128xf32, #tpu.memory_space<hbm>>
      %dma_start3A_60 = tpu.memref_squeeze %dma_start3A_59 : memref<1x64x4x128xf32, #tpu.memory_space<hbm>> -> memref<64x4x128xf32, #tpu.memory_space<hbm>>
      tpu.enqueue_dma source(%dma_start3A_60 : memref<64x4x128xf32, #tpu.memory_space<hbm>>) target(%arg5 : memref<64x4x128xf32, #tpu.memory_space<vmem>>) target_semaphore(%arg8 : memref<!tpu.dma_semaphore, #tpu.memory_space<semaphore_mem>>)
      %add3A_61 = arith.constant 64 : i32
      %add3A_62 = arith.addi %mul3A_32, %add3A_61 : i32
      %dma_start3A_63 = arith.constant 0 : i32
      %dma_start3A_64 = arith.constant 0 : i32
      %dma_start3A_65 = tpu.memref_slice %arg2[%select_n3A, %add3A_62, %dma_start3A_63, %dma_start3A_64] : memref<16x2048x4x128xf32, #tpu.memory_space<hbm>> -> memref<1x64x4x128xf32, #tpu.memory_space<hbm>>
      %dma_start3A_66 = tpu.memref_squeeze %dma_start3A_65 : memref<1x64x4x128xf32, #tpu.memory_space<hbm>> -> memref<64x4x128xf32, #tpu.memory_space<hbm>>
      %dma_start3A_67 = arith.constant 0 : i32
      %dma_start3A_68 = arith.constant 0 : i32
      %dma_start3A_69 = tpu.memref_slice %arg2[%select_n3A, %add3A_62, %dma_start3A_67, %dma_start3A_68] : memref<16x2048x4x128xf32, #tpu.memory_space<hbm>> -> memref<1x64x4x128xf32, #tpu.memory_space<hbm>>
      %dma_start3A_70 = tpu.memref_squeeze %dma_start3A_69 : memref<1x64x4x128xf32, #tpu.memory_space<hbm>> -> memref<64x4x128xf32, #tpu.memory_space<hbm>>
      tpu.enqueue_dma source(%dma_start3A_70 : memref<64x4x128xf32, #tpu.memory_space<hbm>>) target(%arg6 : memref<64x4x128xf32, #tpu.memory_space<vmem>>) target_semaphore(%arg9 : memref<!tpu.dma_semaphore, #tpu.memory_space<semaphore_mem>>)
      %dma_wait3A = arith.constant 0 : i32
      %dma_wait3A_71 = arith.constant 0 : i32
      %dma_wait3A_72 = tpu.memref_slice %arg2[%select_n3A, %add3A_53, %dma_wait3A, %dma_wait3A_71] : memref<16x2048x4x128xf32, #tpu.memory_space<hbm>> -> memref<1x64x4x128xf32, #tpu.memory_space<hbm>>
      %dma_wait3A_73 = tpu.memref_squeeze %dma_wait3A_72 : memref<1x64x4x128xf32, #tpu.memory_space<hbm>> -> memref<64x4x128xf32, #tpu.memory_space<hbm>>
      %dma_wait3A_74 = arith.constant 0 : i32
      %dma_wait3A_75 = arith.constant 0 : i32
      %dma_wait3A_76 = tpu.memref_slice %arg2[%select_n3A, %add3A_53, %dma_wait3A_74, %dma_wait3A_75] : memref<16x2048x4x128xf32, #tpu.memory_space<hbm>> -> memref<1x64x4x128xf32, #tpu.memory_space<hbm>>
      %dma_wait3A_77 = tpu.memref_squeeze %dma_wait3A_76 : memref<1x64x4x128xf32, #tpu.memory_space<hbm>> -> memref<64x4x128xf32, #tpu.memory_space<hbm>>
      tpu.wait_dma2 semaphore(%arg8 : memref<!tpu.dma_semaphore, #tpu.memory_space<semaphore_mem>>) src(%dma_wait3A_77 : memref<64x4x128xf32, #tpu.memory_space<hbm>>) dst(%arg5 : memref<64x4x128xf32, #tpu.memory_space<vmem>>)
      %add3A_78 = arith.constant 0 : i32
      %add3A_79 = arith.addi %mul3A_32, %add3A_78 : i32
      %dma_start3A_80 = arith.constant 0 : i32
      %dma_start3A_81 = arith.constant 0 : i32
      %dma_start3A_82 = tpu.memref_slice %arg4[%select_n3A, %add3A_79, %dma_start3A_80, %dma_start3A_81] : memref<16x2048x4x128xf32, #tpu.memory_space<hbm>> -> memref<1x64x4x128xf32, #tpu.memory_space<hbm>>
      %dma_start3A_83 = tpu.memref_squeeze %dma_start3A_82 : memref<1x64x4x128xf32, #tpu.memory_space<hbm>> -> memref<64x4x128xf32, #tpu.memory_space<hbm>>
      %dma_start3A_84 = arith.constant 0 : i32
      %dma_start3A_85 = arith.constant 0 : i32
      %dma_start3A_86 = tpu.memref_slice %arg4[%select_n3A, %add3A_79, %dma_start3A_84, %dma_start3A_85] : memref<16x2048x4x128xf32, #tpu.memory_space<hbm>> -> memref<1x64x4x128xf32, #tpu.memory_space<hbm>>
      %dma_start3A_87 = tpu.memref_squeeze %dma_start3A_86 : memref<1x64x4x128xf32, #tpu.memory_space<hbm>> -> memref<64x4x128xf32, #tpu.memory_space<hbm>>
      tpu.enqueue_dma source(%arg5 : memref<64x4x128xf32, #tpu.memory_space<vmem>>) target(%dma_start3A_87 : memref<64x4x128xf32, #tpu.memory_space<hbm>>) target_semaphore(%arg11 : memref<!tpu.dma_semaphore, #tpu.memory_space<semaphore_mem>>)
      %add3A_88 = arith.constant 128 : i32
      %add3A_89 = arith.addi %mul3A_32, %add3A_88 : i32
      %dma_start3A_90 = arith.constant 0 : i32
      %dma_start3A_91 = arith.constant 0 : i32
      %dma_start3A_92 = tpu.memref_slice %arg2[%select_n3A, %add3A_89, %dma_start3A_90, %dma_start3A_91] : memref<16x2048x4x128xf32, #tpu.memory_space<hbm>> -> memref<1x64x4x128xf32, #tpu.memory_space<hbm>>
      %dma_start3A_93 = tpu.memref_squeeze %dma_start3A_92 : memref<1x64x4x128xf32, #tpu.memory_space<hbm>> -> memref<64x4x128xf32, #tpu.memory_space<hbm>>
      %dma_start3A_94 = arith.constant 0 : i32
      %dma_start3A_95 = arith.constant 0 : i32
      %dma_start3A_96 = tpu.memref_slice %arg2[%select_n3A, %add3A_89, %dma_start3A_94, %dma_start3A_95] : memref<16x2048x4x128xf32, #tpu.memory_space<hbm>> -> memref<1x64x4x128xf32, #tpu.memory_space<hbm>>
      %dma_start3A_97 = tpu.memref_squeeze %dma_start3A_96 : memref<1x64x4x128xf32, #tpu.memory_space<hbm>> -> memref<64x4x128xf32, #tpu.memory_space<hbm>>
      tpu.enqueue_dma source(%dma_start3A_97 : memref<64x4x128xf32, #tpu.memory_space<hbm>>) target(%arg7 : memref<64x4x128xf32, #tpu.memory_space<vmem>>) target_semaphore(%arg10 : memref<!tpu.dma_semaphore, #tpu.memory_space<semaphore_mem>>)
      %dma_wait3A_98 = arith.constant 0 : i32
      %dma_wait3A_99 = arith.constant 0 : i32
      %dma_wait3A_100 = tpu.memref_slice %arg2[%select_n3A, %add3A_62, %dma_wait3A_98, %dma_wait3A_99] : memref<16x2048x4x128xf32, #tpu.memory_space<hbm>> -> memref<1x64x4x128xf32, #tpu.memory_space<hbm>>
      %dma_wait3A_101 = tpu.memref_squeeze %dma_wait3A_100 : memref<1x64x4x128xf32, #tpu.memory_space<hbm>> -> memref<64x4x128xf32, #tpu.memory_space<hbm>>
      %dma_wait3A_102 = arith.constant 0 : i32
      %dma_wait3A_103 = arith.constant 0 : i32
      %dma_wait3A_104 = tpu.memref_slice %arg2[%select_n3A, %add3A_62, %dma_wait3A_102, %dma_wait3A_103] : memref<16x2048x4x128xf32, #tpu.memory_space<hbm>> -> memref<1x64x4x128xf32, #tpu.memory_space<hbm>>
      %dma_wait3A_105 = tpu.memref_squeeze %dma_wait3A_104 : memref<1x64x4x128xf32, #tpu.memory_space<hbm>> -> memref<64x4x128xf32, #tpu.memory_space<hbm>>
      tpu.wait_dma2 semaphore(%arg9 : memref<!tpu.dma_semaphore, #tpu.memory_space<semaphore_mem>>) src(%dma_wait3A_105 : memref<64x4x128xf32, #tpu.memory_space<hbm>>) dst(%arg6 : memref<64x4x128xf32, #tpu.memory_space<vmem>>)
      %add3A_106 = arith.constant 64 : i32
      %add3A_107 = arith.addi %mul3A_32, %add3A_106 : i32
      %dma_start3A_108 = arith.constant 0 : i32
      %dma_start3A_109 = arith.constant 0 : i32
      %dma_start3A_110 = tpu.memref_slice %arg4[%select_n3A, %add3A_107, %dma_start3A_108, %dma_start3A_109] : memref<16x2048x4x128xf32, #tpu.memory_space<hbm>> -> memref<1x64x4x128xf32, #tpu.memory_space<hbm>>
      %dma_start3A_111 = tpu.memref_squeeze %dma_start3A_110 : memref<1x64x4x128xf32, #tpu.memory_space<hbm>> -> memref<64x4x128xf32, #tpu.memory_space<hbm>>
      %dma_start3A_112 = arith.constant 0 : i32
      %dma_start3A_113 = arith.constant 0 : i32
      %dma_start3A_114 = tpu.memref_slice %arg4[%select_n3A, %add3A_107, %dma_start3A_112, %dma_start3A_113] : memref<16x2048x4x128xf32, #tpu.memory_space<hbm>> -> memref<1x64x4x128xf32, #tpu.memory_space<hbm>>
      %dma_start3A_115 = tpu.memref_squeeze %dma_start3A_114 : memref<1x64x4x128xf32, #tpu.memory_space<hbm>> -> memref<64x4x128xf32, #tpu.memory_space<hbm>>
      tpu.enqueue_dma source(%arg6 : memref<64x4x128xf32, #tpu.memory_space<vmem>>) target(%dma_start3A_115 : memref<64x4x128xf32, #tpu.memory_space<hbm>>) target_semaphore(%arg12 : memref<!tpu.dma_semaphore, #tpu.memory_space<semaphore_mem>>)
      %dma_wait3A_116 = arith.constant 0 : i32
      %dma_wait3A_117 = arith.constant 0 : i32
      %dma_wait3A_118 = tpu.memref_slice %arg4[%select_n3A, %add3A_79, %dma_wait3A_116, %dma_wait3A_117] : memref<16x2048x4x128xf32, #tpu.memory_space<hbm>> -> memref<1x64x4x128xf32, #tpu.memory_space<hbm>>
      %dma_wait3A_119 = tpu.memref_squeeze %dma_wait3A_118 : memref<1x64x4x128xf32, #tpu.memory_space<hbm>> -> memref<64x4x128xf32, #tpu.memory_space<hbm>>
      %dma_wait3A_120 = arith.constant 0 : i32
      %dma_wait3A_121 = arith.constant 0 : i32
      %dma_wait3A_122 = tpu.memref_slice %arg4[%select_n3A, %add3A_79, %dma_wait3A_120, %dma_wait3A_121] : memref<16x2048x4x128xf32, #tpu.memory_space<hbm>> -> memref<1x64x4x128xf32, #tpu.memory_space<hbm>>
      %dma_wait3A_123 = tpu.memref_squeeze %dma_wait3A_122 : memref<1x64x4x128xf32, #tpu.memory_space<hbm>> -> memref<64x4x128xf32, #tpu.memory_space<hbm>>
      tpu.wait_dma2 semaphore(%arg11 : memref<!tpu.dma_semaphore, #tpu.memory_space<semaphore_mem>>) src(%arg5 : memref<64x4x128xf32, #tpu.memory_space<vmem>>) dst(%dma_wait3A_123 : memref<64x4x128xf32, #tpu.memory_space<hbm>>)
      %add3A_124 = arith.constant 192 : i32
      %add3A_125 = arith.addi %mul3A_32, %add3A_124 : i32
      %dma_start3A_126 = arith.constant 0 : i32
      %dma_start3A_127 = arith.constant 0 : i32
      %dma_start3A_128 = tpu.memref_slice %arg2[%select_n3A, %add3A_125, %dma_start3A_126, %dma_start3A_127] : memref<16x2048x4x128xf32, #tpu.memory_space<hbm>> -> memref<1x64x4x128xf32, #tpu.memory_space<hbm>>
      %dma_start3A_129 = tpu.memref_squeeze %dma_start3A_128 : memref<1x64x4x128xf32, #tpu.memory_space<hbm>> -> memref<64x4x128xf32, #tpu.memory_space<hbm>>
      %dma_start3A_130 = arith.constant 0 : i32
      %dma_start3A_131 = arith.constant 0 : i32
      %dma_start3A_132 = tpu.memref_slice %arg2[%select_n3A, %add3A_125, %dma_start3A_130, %dma_start3A_131] : memref<16x2048x4x128xf32, #tpu.memory_space<hbm>> -> memref<1x64x4x128xf32, #tpu.memory_space<hbm>>
      %dma_start3A_133 = tpu.memref_squeeze %dma_start3A_132 : memref<1x64x4x128xf32, #tpu.memory_space<hbm>> -> memref<64x4x128xf32, #tpu.memory_space<hbm>>
      tpu.enqueue_dma source(%dma_start3A_133 : memref<64x4x128xf32, #tpu.memory_space<hbm>>) target(%arg5 : memref<64x4x128xf32, #tpu.memory_space<vmem>>) target_semaphore(%arg8 : memref<!tpu.dma_semaphore, #tpu.memory_space<semaphore_mem>>)
      %dma_wait3A_134 = arith.constant 0 : i32
      %dma_wait3A_135 = arith.constant 0 : i32
      %dma_wait3A_136 = tpu.memref_slice %arg2[%select_n3A, %add3A_89, %dma_wait3A_134, %dma_wait3A_135] : memref<16x2048x4x128xf32, #tpu.memory_space<hbm>> -> memref<1x64x4x128xf32, #tpu.memory_space<hbm>>
      %dma_wait3A_137 = tpu.memref_squeeze %dma_wait3A_136 : memref<1x64x4x128xf32, #tpu.memory_space<hbm>> -> memref<64x4x128xf32, #tpu.memory_space<hbm>>
      %dma_wait3A_138 = arith.constant 0 : i32
      %dma_wait3A_139 = arith.constant 0 : i32
      %dma_wait3A_140 = tpu.memref_slice %arg2[%select_n3A, %add3A_89, %dma_wait3A_138, %dma_wait3A_139] : memref<16x2048x4x128xf32, #tpu.memory_space<hbm>> -> memref<1x64x4x128xf32, #tpu.memory_space<hbm>>
      %dma_wait3A_141 = tpu.memref_squeeze %dma_wait3A_140 : memref<1x64x4x128xf32, #tpu.memory_space<hbm>> -> memref<64x4x128xf32, #tpu.memory_space<hbm>>
      tpu.wait_dma2 semaphore(%arg10 : memref<!tpu.dma_semaphore, #tpu.memory_space<semaphore_mem>>) src(%dma_wait3A_141 : memref<64x4x128xf32, #tpu.memory_space<hbm>>) dst(%arg7 : memref<64x4x128xf32, #tpu.memory_space<vmem>>)
      %add3A_142 = arith.constant 128 : i32
      %add3A_143 = arith.addi %mul3A_32, %add3A_142 : i32
      %dma_start3A_144 = arith.constant 0 : i32
      %dma_start3A_145 = arith.constant 0 : i32
      %dma_start3A_146 = tpu.memref_slice %arg4[%select_n3A, %add3A_143, %dma_start3A_144, %dma_start3A_145] : memref<16x2048x4x128xf32, #tpu.memory_space<hbm>> -> memref<1x64x4x128xf32, #tpu.memory_space<hbm>>
      %dma_start3A_147 = tpu.memref_squeeze %dma_start3A_146 : memref<1x64x4x128xf32, #tpu.memory_space<hbm>> -> memref<64x4x128xf32, #tpu.memory_space<hbm>>
      %dma_start3A_148 = arith.constant 0 : i32
      %dma_start3A_149 = arith.constant 0 : i32
      %dma_start3A_150 = tpu.memref_slice %arg4[%select_n3A, %add3A_143, %dma_start3A_148, %dma_start3A_149] : memref<16x2048x4x128xf32, #tpu.memory_space<hbm>> -> memref<1x64x4x128xf32, #tpu.memory_space<hbm>>
      %dma_start3A_151 = tpu.memref_squeeze %dma_start3A_150 : memref<1x64x4x128xf32, #tpu.memory_space<hbm>> -> memref<64x4x128xf32, #tpu.memory_space<hbm>>
      tpu.enqueue_dma source(%arg7 : memref<64x4x128xf32, #tpu.memory_space<vmem>>) target(%dma_start3A_151 : memref<64x4x128xf32, #tpu.memory_space<hbm>>) target_semaphore(%arg13 : memref<!tpu.dma_semaphore, #tpu.memory_space<semaphore_mem>>)
      %dma_wait3A_152 = arith.constant 0 : i32
      %dma_wait3A_153 = arith.constant 0 : i32
      %dma_wait3A_154 = tpu.memref_slice %arg4[%select_n3A, %add3A_107, %dma_wait3A_152, %dma_wait3A_153] : memref<16x2048x4x128xf32, #tpu.memory_space<hbm>> -> memref<1x64x4x128xf32, #tpu.memory_space<hbm>>
      %dma_wait3A_155 = tpu.memref_squeeze %dma_wait3A_154 : memref<1x64x4x128xf32, #tpu.memory_space<hbm>> -> memref<64x4x128xf32, #tpu.memory_space<hbm>>
      %dma_wait3A_156 = arith.constant 0 : i32
      %dma_wait3A_157 = arith.constant 0 : i32
      %dma_wait3A_158 = tpu.memref_slice %arg4[%select_n3A, %add3A_107, %dma_wait3A_156, %dma_wait3A_157] : memref<16x2048x4x128xf32, #tpu.memory_space<hbm>> -> memref<1x64x4x128xf32, #tpu.memory_space<hbm>>
      %dma_wait3A_159 = tpu.memref_squeeze %dma_wait3A_158 : memref<1x64x4x128xf32, #tpu.memory_space<hbm>> -> memref<64x4x128xf32, #tpu.memory_space<hbm>>
      tpu.wait_dma2 semaphore(%arg12 : memref<!tpu.dma_semaphore, #tpu.memory_space<semaphore_mem>>) src(%arg6 : memref<64x4x128xf32, #tpu.memory_space<vmem>>) dst(%dma_wait3A_159 : memref<64x4x128xf32, #tpu.memory_space<hbm>>)
      %add3A_160 = arith.constant 256 : i32
      %add3A_161 = arith.addi %mul3A_32, %add3A_160 : i32
      %dma_start3A_162 = arith.constant 0 : i32
      %dma_start3A_163 = arith.constant 0 : i32
      %dma_start3A_164 = tpu.memref_slice %arg2[%select_n3A, %add3A_161, %dma_start3A_162, %dma_start3A_163] : memref<16x2048x4x128xf32, #tpu.memory_space<hbm>> -> memref<1x64x4x128xf32, #tpu.memory_space<hbm>>
      %dma_start3A_165 = tpu.memref_squeeze %dma_start3A_164 : memref<1x64x4x128xf32, #tpu.memory_space<hbm>> -> memref<64x4x128xf32, #tpu.memory_space<hbm>>
      %dma_start3A_166 = arith.constant 0 : i32
      %dma_start3A_167 = arith.constant 0 : i32
      %dma_start3A_168 = tpu.memref_slice %arg2[%select_n3A, %add3A_161, %dma_start3A_166, %dma_start3A_167] : memref<16x2048x4x128xf32, #tpu.memory_space<hbm>> -> memref<1x64x4x128xf32, #tpu.memory_space<hbm>>
      %dma_start3A_169 = tpu.memref_squeeze %dma_start3A_168 : memref<1x64x4x128xf32, #tpu.memory_space<hbm>> -> memref<64x4x128xf32, #tpu.memory_space<hbm>>
      tpu.enqueue_dma source(%dma_start3A_169 : memref<64x4x128xf32, #tpu.memory_space<hbm>>) target(%arg6 : memref<64x4x128xf32, #tpu.memory_space<vmem>>) target_semaphore(%arg9 : memref<!tpu.dma_semaphore, #tpu.memory_space<semaphore_mem>>)
      %dma_wait3A_170 = arith.constant 0 : i32
      %dma_wait3A_171 = arith.constant 0 : i32
      %dma_wait3A_172 = tpu.memref_slice %arg2[%select_n3A, %add3A_125, %dma_wait3A_170, %dma_wait3A_171] : memref<16x2048x4x128xf32, #tpu.memory_space<hbm>> -> memref<1x64x4x128xf32, #tpu.memory_space<hbm>>
      %dma_wait3A_173 = tpu.memref_squeeze %dma_wait3A_172 : memref<1x64x4x128xf32, #tpu.memory_space<hbm>> -> memref<64x4x128xf32, #tpu.memory_space<hbm>>
      %dma_wait3A_174 = arith.constant 0 : i32
      %dma_wait3A_175 = arith.constant 0 : i32
      %dma_wait3A_176 = tpu.memref_slice %arg2[%select_n3A, %add3A_125, %dma_wait3A_174, %dma_wait3A_175] : memref<16x2048x4x128xf32, #tpu.memory_space<hbm>> -> memref<1x64x4x128xf32, #tpu.memory_space<hbm>>
      %dma_wait3A_177 = tpu.memref_squeeze %dma_wait3A_176 : memref<1x64x4x128xf32, #tpu.memory_space<hbm>> -> memref<64x4x128xf32, #tpu.memory_space<hbm>>
      tpu.wait_dma2 semaphore(%arg8 : memref<!tpu.dma_semaphore, #tpu.memory_space<semaphore_mem>>) src(%dma_wait3A_177 : memref<64x4x128xf32, #tpu.memory_space<hbm>>) dst(%arg5 : memref<64x4x128xf32, #tpu.memory_space<vmem>>)
      %add3A_178 = arith.constant 192 : i32
      %add3A_179 = arith.addi %mul3A_32, %add3A_178 : i32
      %dma_start3A_180 = arith.constant 0 : i32
      %dma_start3A_181 = arith.constant 0 : i32
      %dma_start3A_182 = tpu.memref_slice %arg4[%select_n3A, %add3A_179, %dma_start3A_180, %dma_start3A_181] : memref<16x2048x4x128xf32, #tpu.memory_space<hbm>> -> memref<1x64x4x128xf32, #tpu.memory_space<hbm>>
      %dma_start3A_183 = tpu.memref_squeeze %dma_start3A_182 : memref<1x64x4x128xf32, #tpu.memory_space<hbm>> -> memref<64x4x128xf32, #tpu.memory_space<hbm>>
      %dma_start3A_184 = arith.constant 0 : i32
      %dma_start3A_185 = arith.constant 0 : i32
      %dma_start3A_186 = tpu.memref_slice %arg4[%select_n3A, %add3A_179, %dma_start3A_184, %dma_start3A_185] : memref<16x2048x4x128xf32, #tpu.memory_space<hbm>> -> memref<1x64x4x128xf32, #tpu.memory_space<hbm>>
      %dma_start3A_187 = tpu.memref_squeeze %dma_start3A_186 : memref<1x64x4x128xf32, #tpu.memory_space<hbm>> -> memref<64x4x128xf32, #tpu.memory_space<hbm>>
      tpu.enqueue_dma source(%arg5 : memref<64x4x128xf32, #tpu.memory_space<vmem>>) target(%dma_start3A_187 : memref<64x4x128xf32, #tpu.memory_space<hbm>>) target_semaphore(%arg11 : memref<!tpu.dma_semaphore, #tpu.memory_space<semaphore_mem>>)
      %dma_wait3A_188 = arith.constant 0 : i32
      %dma_wait3A_189 = arith.constant 0 : i32
      %dma_wait3A_190 = tpu.memref_slice %arg4[%select_n3A, %add3A_143, %dma_wait3A_188, %dma_wait3A_189] : memref<16x2048x4x128xf32, #tpu.memory_space<hbm>> -> memref<1x64x4x128xf32, #tpu.memory_space<hbm>>
      %dma_wait3A_191 = tpu.memref_squeeze %dma_wait3A_190 : memref<1x64x4x128xf32, #tpu.memory_space<hbm>> -> memref<64x4x128xf32, #tpu.memory_space<hbm>>
      %dma_wait3A_192 = arith.constant 0 : i32
      %dma_wait3A_193 = arith.constant 0 : i32
      %dma_wait3A_194 = tpu.memref_slice %arg4[%select_n3A, %add3A_143, %dma_wait3A_192, %dma_wait3A_193] : memref<16x2048x4x128xf32, #tpu.memory_space<hbm>> -> memref<1x64x4x128xf32, #tpu.memory_space<hbm>>
      %dma_wait3A_195 = tpu.memref_squeeze %dma_wait3A_194 : memref<1x64x4x128xf32, #tpu.memory_space<hbm>> -> memref<64x4x128xf32, #tpu.memory_space<hbm>>
      tpu.wait_dma2 semaphore(%arg13 : memref<!tpu.dma_semaphore, #tpu.memory_space<semaphore_mem>>) src(%arg7 : memref<64x4x128xf32, #tpu.memory_space<vmem>>) dst(%dma_wait3A_195 : memref<64x4x128xf32, #tpu.memory_space<hbm>>)
      %add3A_196 = arith.constant 320 : i32
      %add3A_197 = arith.addi %mul3A_32, %add3A_196 : i32
      %dma_start3A_198 = arith.constant 0 : i32
      %dma_start3A_199 = arith.constant 0 : i32
      %dma_start3A_200 = tpu.memref_slice %arg2[%select_n3A, %add3A_197, %dma_start3A_198, %dma_start3A_199] : memref<16x2048x4x128xf32, #tpu.memory_space<hbm>> -> memref<1x64x4x128xf32, #tpu.memory_space<hbm>>
      %dma_start3A_201 = tpu.memref_squeeze %dma_start3A_200 : memref<1x64x4x128xf32, #tpu.memory_space<hbm>> -> memref<64x4x128xf32, #tpu.memory_space<hbm>>
      %dma_start3A_202 = arith.constant 0 : i32
      %dma_start3A_203 = arith.constant 0 : i32
      %dma_start3A_204 = tpu.memref_slice %arg2[%select_n3A, %add3A_197, %dma_start3A_202, %dma_start3A_203] : memref<16x2048x4x128xf32, #tpu.memory_space<hbm>> -> memref<1x64x4x128xf32, #tpu.memory_space<hbm>>
      %dma_start3A_205 = tpu.memref_squeeze %dma_start3A_204 : memref<1x64x4x128xf32, #tpu.memory_space<hbm>> -> memref<64x4x128xf32, #tpu.memory_space<hbm>>
      tpu.enqueue_dma source(%dma_start3A_205 : memref<64x4x128xf32, #tpu.memory_space<hbm>>) target(%arg7 : memref<64x4x128xf32, #tpu.memory_space<vmem>>) target_semaphore(%arg10 : memref<!tpu.dma_semaphore, #tpu.memory_space<semaphore_mem>>)
      %dma_wait3A_206 = arith.constant 0 : i32
      %dma_wait3A_207 = arith.constant 0 : i32
      %dma_wait3A_208 = tpu.memref_slice %arg2[%select_n3A, %add3A_161, %dma_wait3A_206, %dma_wait3A_207] : memref<16x2048x4x128xf32, #tpu.memory_space<hbm>> -> memref<1x64x4x128xf32, #tpu.memory_space<hbm>>
      %dma_wait3A_209 = tpu.memref_squeeze %dma_wait3A_208 : memref<1x64x4x128xf32, #tpu.memory_space<hbm>> -> memref<64x4x128xf32, #tpu.memory_space<hbm>>
      %dma_wait3A_210 = arith.constant 0 : i32
      %dma_wait3A_211 = arith.constant 0 : i32
      %dma_wait3A_212 = tpu.memref_slice %arg2[%select_n3A, %add3A_161, %dma_wait3A_210, %dma_wait3A_211] : memref<16x2048x4x128xf32, #tpu.memory_space<hbm>> -> memref<1x64x4x128xf32, #tpu.memory_space<hbm>>
      %dma_wait3A_213 = tpu.memref_squeeze %dma_wait3A_212 : memref<1x64x4x128xf32, #tpu.memory_space<hbm>> -> memref<64x4x128xf32, #tpu.memory_space<hbm>>
      tpu.wait_dma2 semaphore(%arg9 : memref<!tpu.dma_semaphore, #tpu.memory_space<semaphore_mem>>) src(%dma_wait3A_213 : memref<64x4x128xf32, #tpu.memory_space<hbm>>) dst(%arg6 : memref<64x4x128xf32, #tpu.memory_space<vmem>>)
      %add3A_214 = arith.constant 256 : i32
      %add3A_215 = arith.addi %mul3A_32, %add3A_214 : i32
      %dma_start3A_216 = arith.constant 0 : i32
      %dma_start3A_217 = arith.constant 0 : i32
      %dma_start3A_218 = tpu.memref_slice %arg4[%select_n3A, %add3A_215, %dma_start3A_216, %dma_start3A_217] : memref<16x2048x4x128xf32, #tpu.memory_space<hbm>> -> memref<1x64x4x128xf32, #tpu.memory_space<hbm>>
      %dma_start3A_219 = tpu.memref_squeeze %dma_start3A_218 : memref<1x64x4x128xf32, #tpu.memory_space<hbm>> -> memref<64x4x128xf32, #tpu.memory_space<hbm>>
      %dma_start3A_220 = arith.constant 0 : i32
      %dma_start3A_221 = arith.constant 0 : i32
      %dma_start3A_222 = tpu.memref_slice %arg4[%select_n3A, %add3A_215, %dma_start3A_220, %dma_start3A_221] : memref<16x2048x4x128xf32, #tpu.memory_space<hbm>> -> memref<1x64x4x128xf32, #tpu.memory_space<hbm>>
      %dma_start3A_223 = tpu.memref_squeeze %dma_start3A_222 : memref<1x64x4x128xf32, #tpu.memory_space<hbm>> -> memref<64x4x128xf32, #tpu.memory_space<hbm>>
      tpu.enqueue_dma source(%arg6 : memref<64x4x128xf32, #tpu.memory_space<vmem>>) target(%dma_start3A_223 : memref<64x4x128xf32, #tpu.memory_space<hbm>>) target_semaphore(%arg12 : memref<!tpu.dma_semaphore, #tpu.memory_space<semaphore_mem>>)
      %dma_wait3A_224 = arith.constant 0 : i32
      %dma_wait3A_225 = arith.constant 0 : i32
      %dma_wait3A_226 = tpu.memref_slice %arg4[%select_n3A, %add3A_179, %dma_wait3A_224, %dma_wait3A_225] : memref<16x2048x4x128xf32, #tpu.memory_space<hbm>> -> memref<1x64x4x128xf32, #tpu.memory_space<hbm>>
      %dma_wait3A_227 = tpu.memref_squeeze %dma_wait3A_226 : memref<1x64x4x128xf32, #tpu.memory_space<hbm>> -> memref<64x4x128xf32, #tpu.memory_space<hbm>>
      %dma_wait3A_228 = arith.constant 0 : i32
      %dma_wait3A_229 = arith.constant 0 : i32
      %dma_wait3A_230 = tpu.memref_slice %arg4[%select_n3A, %add3A_179, %dma_wait3A_228, %dma_wait3A_229] : memref<16x2048x4x128xf32, #tpu.memory_space<hbm>> -> memref<1x64x4x128xf32, #tpu.memory_space<hbm>>
      %dma_wait3A_231 = tpu.memref_squeeze %dma_wait3A_230 : memref<1x64x4x128xf32, #tpu.memory_space<hbm>> -> memref<64x4x128xf32, #tpu.memory_space<hbm>>
      tpu.wait_dma2 semaphore(%arg11 : memref<!tpu.dma_semaphore, #tpu.memory_space<semaphore_mem>>) src(%arg5 : memref<64x4x128xf32, #tpu.memory_space<vmem>>) dst(%dma_wait3A_231 : memref<64x4x128xf32, #tpu.memory_space<hbm>>)
      %add3A_232 = arith.constant 384 : i32
      %add3A_233 = arith.addi %mul3A_32, %add3A_232 : i32
      %dma_start3A_234 = arith.constant 0 : i32
      %dma_start3A_235 = arith.constant 0 : i32
      %dma_start3A_236 = tpu.memref_slice %arg2[%select_n3A, %add3A_233, %dma_start3A_234, %dma_start3A_235] : memref<16x2048x4x128xf32, #tpu.memory_space<hbm>> -> memref<1x64x4x128xf32, #tpu.memory_space<hbm>>
      %dma_start3A_237 = tpu.memref_squeeze %dma_start3A_236 : memref<1x64x4x128xf32, #tpu.memory_space<hbm>> -> memref<64x4x128xf32, #tpu.memory_space<hbm>>
      %dma_start3A_238 = arith.constant 0 : i32
      %dma_start3A_239 = arith.constant 0 : i32
      %dma_start3A_240 = tpu.memref_slice %arg2[%select_n3A, %add3A_233, %dma_start3A_238, %dma_start3A_239] : memref<16x2048x4x128xf32, #tpu.memory_space<hbm>> -> memref<1x64x4x128xf32, #tpu.memory_space<hbm>>
      %dma_start3A_241 = tpu.memref_squeeze %dma_start3A_240 : memref<1x64x4x128xf32, #tpu.memory_space<hbm>> -> memref<64x4x128xf32, #tpu.memory_space<hbm>>
      tpu.enqueue_dma source(%dma_start3A_241 : memref<64x4x128xf32, #tpu.memory_space<hbm>>) target(%arg5 : memref<64x4x128xf32, #tpu.memory_space<vmem>>) target_semaphore(%arg8 : memref<!tpu.dma_semaphore, #tpu.memory_space<semaphore_mem>>)
      %dma_wait3A_242 = arith.constant 0 : i32
      %dma_wait3A_243 = arith.constant 0 : i32
      %dma_wait3A_244 = tpu.memref_slice %arg2[%select_n3A, %add3A_197, %dma_wait3A_242, %dma_wait3A_243] : memref<16x2048x4x128xf32, #tpu.memory_space<hbm>> -> memref<1x64x4x128xf32, #tpu.memory_space<hbm>>
      %dma_wait3A_245 = tpu.memref_squeeze %dma_wait3A_244 : memref<1x64x4x128xf32, #tpu.memory_space<hbm>> -> memref<64x4x128xf32, #tpu.memory_space<hbm>>
      %dma_wait3A_246 = arith.constant 0 : i32
      %dma_wait3A_247 = arith.constant 0 : i32
      %dma_wait3A_248 = tpu.memref_slice %arg2[%select_n3A, %add3A_197, %dma_wait3A_246, %dma_wait3A_247] : memref<16x2048x4x128xf32, #tpu.memory_space<hbm>> -> memref<1x64x4x128xf32, #tpu.memory_space<hbm>>
      %dma_wait3A_249 = tpu.memref_squeeze %dma_wait3A_248 : memref<1x64x4x128xf32, #tpu.memory_space<hbm>> -> memref<64x4x128xf32, #tpu.memory_space<hbm>>
      tpu.wait_dma2 semaphore(%arg10 : memref<!tpu.dma_semaphore, #tpu.memory_space<semaphore_mem>>) src(%dma_wait3A_249 : memref<64x4x128xf32, #tpu.memory_space<hbm>>) dst(%arg7 : memref<64x4x128xf32, #tpu.memory_space<vmem>>)
      %add3A_250 = arith.constant 320 : i32
      %add3A_251 = arith.addi %mul3A_32, %add3A_250 : i32
      %dma_start3A_252 = arith.constant 0 : i32
      %dma_start3A_253 = arith.constant 0 : i32
      %dma_start3A_254 = tpu.memref_slice %arg4[%select_n3A, %add3A_251, %dma_start3A_252, %dma_start3A_253] : memref<16x2048x4x128xf32, #tpu.memory_space<hbm>> -> memref<1x64x4x128xf32, #tpu.memory_space<hbm>>
      %dma_start3A_255 = tpu.memref_squeeze %dma_start3A_254 : memref<1x64x4x128xf32, #tpu.memory_space<hbm>> -> memref<64x4x128xf32, #tpu.memory_space<hbm>>
      %dma_start3A_256 = arith.constant 0 : i32
      %dma_start3A_257 = arith.constant 0 : i32
      %dma_start3A_258 = tpu.memref_slice %arg4[%select_n3A, %add3A_251, %dma_start3A_256, %dma_start3A_257] : memref<16x2048x4x128xf32, #tpu.memory_space<hbm>> -> memref<1x64x4x128xf32, #tpu.memory_space<hbm>>
      %dma_start3A_259 = tpu.memref_squeeze %dma_start3A_258 : memref<1x64x4x128xf32, #tpu.memory_space<hbm>> -> memref<64x4x128xf32, #tpu.memory_space<hbm>>
      tpu.enqueue_dma source(%arg7 : memref<64x4x128xf32, #tpu.memory_space<vmem>>) target(%dma_start3A_259 : memref<64x4x128xf32, #tpu.memory_space<hbm>>) target_semaphore(%arg13 : memref<!tpu.dma_semaphore, #tpu.memory_space<semaphore_mem>>)
      %dma_wait3A_260 = arith.constant 0 : i32
      %dma_wait3A_261 = arith.constant 0 : i32
      %dma_wait3A_262 = tpu.memref_slice %arg4[%select_n3A, %add3A_215, %dma_wait3A_260, %dma_wait3A_261] : memref<16x2048x4x128xf32, #tpu.memory_space<hbm>> -> memref<1x64x4x128xf32, #tpu.memory_space<hbm>>
      %dma_wait3A_263 = tpu.memref_squeeze %dma_wait3A_262 : memref<1x64x4x128xf32, #tpu.memory_space<hbm>> -> memref<64x4x128xf32, #tpu.memory_space<hbm>>
      %dma_wait3A_264 = arith.constant 0 : i32
      %dma_wait3A_265 = arith.constant 0 : i32
      %dma_wait3A_266 = tpu.memref_slice %arg4[%select_n3A, %add3A_215, %dma_wait3A_264, %dma_wait3A_265] : memref<16x2048x4x128xf32, #tpu.memory_space<hbm>> -> memref<1x64x4x128xf32, #tpu.memory_space<hbm>>
      %dma_wait3A_267 = tpu.memref_squeeze %dma_wait3A_266 : memref<1x64x4x128xf32, #tpu.memory_space<hbm>> -> memref<64x4x128xf32, #tpu.memory_space<hbm>>
      tpu.wait_dma2 semaphore(%arg12 : memref<!tpu.dma_semaphore, #tpu.memory_space<semaphore_mem>>) src(%arg6 : memref<64x4x128xf32, #tpu.memory_space<vmem>>) dst(%dma_wait3A_267 : memref<64x4x128xf32, #tpu.memory_space<hbm>>)
      %add3A_268 = arith.constant 448 : i32
      %add3A_269 = arith.addi %mul3A_32, %add3A_268 : i32
      %dma_start3A_270 = arith.constant 0 : i32
      %dma_start3A_271 = arith.constant 0 : i32
      %dma_start3A_272 = tpu.memref_slice %arg2[%select_n3A, %add3A_269, %dma_start3A_270, %dma_start3A_271] : memref<16x2048x4x128xf32, #tpu.memory_space<hbm>> -> memref<1x64x4x128xf32, #tpu.memory_space<hbm>>
      %dma_start3A_273 = tpu.memref_squeeze %dma_start3A_272 : memref<1x64x4x128xf32, #tpu.memory_space<hbm>> -> memref<64x4x128xf32, #tpu.memory_space<hbm>>
      %dma_start3A_274 = arith.constant 0 : i32
      %dma_start3A_275 = arith.constant 0 : i32
      %dma_start3A_276 = tpu.memref_slice %arg2[%select_n3A, %add3A_269, %dma_start3A_274, %dma_start3A_275] : memref<16x2048x4x128xf32, #tpu.memory_space<hbm>> -> memref<1x64x4x128xf32, #tpu.memory_space<hbm>>
      %dma_start3A_277 = tpu.memref_squeeze %dma_start3A_276 : memref<1x64x4x128xf32, #tpu.memory_space<hbm>> -> memref<64x4x128xf32, #tpu.memory_space<hbm>>
      tpu.enqueue_dma source(%dma_start3A_277 : memref<64x4x128xf32, #tpu.memory_space<hbm>>) target(%arg6 : memref<64x4x128xf32, #tpu.memory_space<vmem>>) target_semaphore(%arg9 : memref<!tpu.dma_semaphore, #tpu.memory_space<semaphore_mem>>)
      %dma_wait3A_278 = arith.constant 0 : i32
      %dma_wait3A_279 = arith.constant 0 : i32
      %dma_wait3A_280 = tpu.memref_slice %arg2[%select_n3A, %add3A_233, %dma_wait3A_278, %dma_wait3A_279] : memref<16x2048x4x128xf32, #tpu.memory_space<hbm>> -> memref<1x64x4x128xf32, #tpu.memory_space<hbm>>
      %dma_wait3A_281 = tpu.memref_squeeze %dma_wait3A_280 : memref<1x64x4x128xf32, #tpu.memory_space<hbm>> -> memref<64x4x128xf32, #tpu.memory_space<hbm>>
      %dma_wait3A_282 = arith.constant 0 : i32
      %dma_wait3A_283 = arith.constant 0 : i32
      %dma_wait3A_284 = tpu.memref_slice %arg2[%select_n3A, %add3A_233, %dma_wait3A_282, %dma_wait3A_283] : memref<16x2048x4x128xf32, #tpu.memory_space<hbm>> -> memref<1x64x4x128xf32, #tpu.memory_space<hbm>>
      %dma_wait3A_285 = tpu.memref_squeeze %dma_wait3A_284 : memref<1x64x4x128xf32, #tpu.memory_space<hbm>> -> memref<64x4x128xf32, #tpu.memory_space<hbm>>
      tpu.wait_dma2 semaphore(%arg8 : memref<!tpu.dma_semaphore, #tpu.memory_space<semaphore_mem>>) src(%dma_wait3A_285 : memref<64x4x128xf32, #tpu.memory_space<hbm>>) dst(%arg5 : memref<64x4x128xf32, #tpu.memory_space<vmem>>)
      %add3A_286 = arith.constant 384 : i32
      %add3A_287 = arith.addi %mul3A_32, %add3A_286 : i32
      %dma_start3A_288 = arith.constant 0 : i32
      %dma_start3A_289 = arith.constant 0 : i32
      %dma_start3A_290 = tpu.memref_slice %arg4[%select_n3A, %add3A_287, %dma_start3A_288, %dma_start3A_289] : memref<16x2048x4x128xf32, #tpu.memory_space<hbm>> -> memref<1x64x4x128xf32, #tpu.memory_space<hbm>>
      %dma_start3A_291 = tpu.memref_squeeze %dma_start3A_290 : memref<1x64x4x128xf32, #tpu.memory_space<hbm>> -> memref<64x4x128xf32, #tpu.memory_space<hbm>>
      %dma_start3A_292 = arith.constant 0 : i32
      %dma_start3A_293 = arith.constant 0 : i32
      %dma_start3A_294 = tpu.memref_slice %arg4[%select_n3A, %add3A_287, %dma_start3A_292, %dma_start3A_293] : memref<16x2048x4x128xf32, #tpu.memory_space<hbm>> -> memref<1x64x4x128xf32, #tpu.memory_space<hbm>>
      %dma_start3A_295 = tpu.memref_squeeze %dma_start3A_294 : memref<1x64x4x128xf32, #tpu.memory_space<hbm>> -> memref<64x4x128xf32, #tpu.memory_space<hbm>>
      tpu.enqueue_dma source(%arg5 : memref<64x4x128xf32, #tpu.memory_space<vmem>>) target(%dma_start3A_295 : memref<64x4x128xf32, #tpu.memory_space<hbm>>) target_semaphore(%arg11 : memref<!tpu.dma_semaphore, #tpu.memory_space<semaphore_mem>>)
      %dma_wait3A_296 = arith.constant 0 : i32
      %dma_wait3A_297 = arith.constant 0 : i32
      %dma_wait3A_298 = tpu.memref_slice %arg4[%select_n3A, %add3A_251, %dma_wait3A_296, %dma_wait3A_297] : memref<16x2048x4x128xf32, #tpu.memory_space<hbm>> -> memref<1x64x4x128xf32, #tpu.memory_space<hbm>>
      %dma_wait3A_299 = tpu.memref_squeeze %dma_wait3A_298 : memref<1x64x4x128xf32, #tpu.memory_space<hbm>> -> memref<64x4x128xf32, #tpu.memory_space<hbm>>
      %dma_wait3A_300 = arith.constant 0 : i32
      %dma_wait3A_301 = arith.constant 0 : i32
      %dma_wait3A_302 = tpu.memref_slice %arg4[%select_n3A, %add3A_251, %dma_wait3A_300, %dma_wait3A_301] : memref<16x2048x4x128xf32, #tpu.memory_space<hbm>> -> memref<1x64x4x128xf32, #tpu.memory_space<hbm>>
      %dma_wait3A_303 = tpu.memref_squeeze %dma_wait3A_302 : memref<1x64x4x128xf32, #tpu.memory_space<hbm>> -> memref<64x4x128xf32, #tpu.memory_space<hbm>>
      tpu.wait_dma2 semaphore(%arg13 : memref<!tpu.dma_semaphore, #tpu.memory_space<semaphore_mem>>) src(%arg7 : memref<64x4x128xf32, #tpu.memory_space<vmem>>) dst(%dma_wait3A_303 : memref<64x4x128xf32, #tpu.memory_space<hbm>>)
      %add3A_304 = arith.constant 512 : i32
      %add3A_305 = arith.addi %mul3A_32, %add3A_304 : i32
      %dma_start3A_306 = arith.constant 0 : i32
      %dma_start3A_307 = arith.constant 0 : i32
      %dma_start3A_308 = tpu.memref_slice %arg2[%select_n3A, %add3A_305, %dma_start3A_306, %dma_start3A_307] : memref<16x2048x4x128xf32, #tpu.memory_space<hbm>> -> memref<1x64x4x128xf32, #tpu.memory_space<hbm>>
      %dma_start3A_309 = tpu.memref_squeeze %dma_start3A_308 : memref<1x64x4x128xf32, #tpu.memory_space<hbm>> -> memref<64x4x128xf32, #tpu.memory_space<hbm>>
      %dma_start3A_310 = arith.constant 0 : i32
      %dma_start3A_311 = arith.constant 0 : i32
      %dma_start3A_312 = tpu.memref_slice %arg2[%select_n3A, %add3A_305, %dma_start3A_310, %dma_start3A_311] : memref<16x2048x4x128xf32, #tpu.memory_space<hbm>> -> memref<1x64x4x128xf32, #tpu.memory_space<hbm>>
      %dma_start3A_313 = tpu.memref_squeeze %dma_start3A_312 : memref<1x64x4x128xf32, #tpu.memory_space<hbm>> -> memref<64x4x128xf32, #tpu.memory_space<hbm>>
      tpu.enqueue_dma source(%dma_start3A_313 : memref<64x4x128xf32, #tpu.memory_space<hbm>>) target(%arg7 : memref<64x4x128xf32, #tpu.memory_space<vmem>>) target_semaphore(%arg10 : memref<!tpu.dma_semaphore, #tpu.memory_space<semaphore_mem>>)
      %dma_wait3A_314 = arith.constant 0 : i32
      %dma_wait3A_315 = arith.constant 0 : i32
      %dma_wait3A_316 = tpu.memref_slice %arg2[%select_n3A, %add3A_269, %dma_wait3A_314, %dma_wait3A_315] : memref<16x2048x4x128xf32, #tpu.memory_space<hbm>> -> memref<1x64x4x128xf32, #tpu.memory_space<hbm>>
      %dma_wait3A_317 = tpu.memref_squeeze %dma_wait3A_316 : memref<1x64x4x128xf32, #tpu.memory_space<hbm>> -> memref<64x4x128xf32, #tpu.memory_space<hbm>>
      %dma_wait3A_318 = arith.constant 0 : i32
      %dma_wait3A_319 = arith.constant 0 : i32
      %dma_wait3A_320 = tpu.memref_slice %arg2[%select_n3A, %add3A_269, %dma_wait3A_318, %dma_wait3A_319] : memref<16x2048x4x128xf32, #tpu.memory_space<hbm>> -> memref<1x64x4x128xf32, #tpu.memory_space<hbm>>
      %dma_wait3A_321 = tpu.memref_squeeze %dma_wait3A_320 : memref<1x64x4x128xf32, #tpu.memory_space<hbm>> -> memref<64x4x128xf32, #tpu.memory_space<hbm>>
      tpu.wait_dma2 semaphore(%arg9 : memref<!tpu.dma_semaphore, #tpu.memory_space<semaphore_mem>>) src(%dma_wait3A_321 : memref<64x4x128xf32, #tpu.memory_space<hbm>>) dst(%arg6 : memref<64x4x128xf32, #tpu.memory_space<vmem>>)
      %add3A_322 = arith.constant 448 : i32
      %add3A_323 = arith.addi %mul3A_32, %add3A_322 : i32
      %dma_start3A_324 = arith.constant 0 : i32
      %dma_start3A_325 = arith.constant 0 : i32
      %dma_start3A_326 = tpu.memref_slice %arg4[%select_n3A, %add3A_323, %dma_start3A_324, %dma_start3A_325] : memref<16x2048x4x128xf32, #tpu.memory_space<hbm>> -> memref<1x64x4x128xf32, #tpu.memory_space<hbm>>
      %dma_start3A_327 = tpu.memref_squeeze %dma_start3A_326 : memref<1x64x4x128xf32, #tpu.memory_space<hbm>> -> memref<64x4x128xf32, #tpu.memory_space<hbm>>
      %dma_start3A_328 = arith.constant 0 : i32
      %dma_start3A_329 = arith.constant 0 : i32
      %dma_start3A_330 = tpu.memref_slice %arg4[%select_n3A, %add3A_323, %dma_start3A_328, %dma_start3A_329] : memref<16x2048x4x128xf32, #tpu.memory_space<hbm>> -> memref<1x64x4x128xf32, #tpu.memory_space<hbm>>
      %dma_start3A_331 = tpu.memref_squeeze %dma_start3A_330 : memref<1x64x4x128xf32, #tpu.memory_space<hbm>> -> memref<64x4x128xf32, #tpu.memory_space<hbm>>
      tpu.enqueue_dma source(%arg6 : memref<64x4x128xf32, #tpu.memory_space<vmem>>) target(%dma_start3A_331 : memref<64x4x128xf32, #tpu.memory_space<hbm>>) target_semaphore(%arg12 : memref<!tpu.dma_semaphore, #tpu.memory_space<semaphore_mem>>)
      %dma_wait3A_332 = arith.constant 0 : i32
      %dma_wait3A_333 = arith.constant 0 : i32
      %dma_wait3A_334 = tpu.memref_slice %arg4[%select_n3A, %add3A_287, %dma_wait3A_332, %dma_wait3A_333] : memref<16x2048x4x128xf32, #tpu.memory_space<hbm>> -> memref<1x64x4x128xf32, #tpu.memory_space<hbm>>
      %dma_wait3A_335 = tpu.memref_squeeze %dma_wait3A_334 : memref<1x64x4x128xf32, #tpu.memory_space<hbm>> -> memref<64x4x128xf32, #tpu.memory_space<hbm>>
      %dma_wait3A_336 = arith.constant 0 : i32
      %dma_wait3A_337 = arith.constant 0 : i32
      %dma_wait3A_338 = tpu.memref_slice %arg4[%select_n3A, %add3A_287, %dma_wait3A_336, %dma_wait3A_337] : memref<16x2048x4x128xf32, #tpu.memory_space<hbm>> -> memref<1x64x4x128xf32, #tpu.memory_space<hbm>>
      %dma_wait3A_339 = tpu.memref_squeeze %dma_wait3A_338 : memref<1x64x4x128xf32, #tpu.memory_space<hbm>> -> memref<64x4x128xf32, #tpu.memory_space<hbm>>
      tpu.wait_dma2 semaphore(%arg11 : memref<!tpu.dma_semaphore, #tpu.memory_space<semaphore_mem>>) src(%arg5 : memref<64x4x128xf32, #tpu.memory_space<vmem>>) dst(%dma_wait3A_339 : memref<64x4x128xf32, #tpu.memory_space<hbm>>)
      %add3A_340 = arith.constant 576 : i32
      %add3A_341 = arith.addi %mul3A_32, %add3A_340 : i32
      %dma_start3A_342 = arith.constant 0 : i32
      %dma_start3A_343 = arith.constant 0 : i32
      %dma_start3A_344 = tpu.memref_slice %arg2[%select_n3A, %add3A_341, %dma_start3A_342, %dma_start3A_343] : memref<16x2048x4x128xf32, #tpu.memory_space<hbm>> -> memref<1x64x4x128xf32, #tpu.memory_space<hbm>>
      %dma_start3A_345 = tpu.memref_squeeze %dma_start3A_344 : memref<1x64x4x128xf32, #tpu.memory_space<hbm>> -> memref<64x4x128xf32, #tpu.memory_space<hbm>>
      %dma_start3A_346 = arith.constant 0 : i32
      %dma_start3A_347 = arith.constant 0 : i32
      %dma_start3A_348 = tpu.memref_slice %arg2[%select_n3A, %add3A_341, %dma_start3A_346, %dma_start3A_347] : memref<16x2048x4x128xf32, #tpu.memory_space<hbm>> -> memref<1x64x4x128xf32, #tpu.memory_space<hbm>>
      %dma_start3A_349 = tpu.memref_squeeze %dma_start3A_348 : memref<1x64x4x128xf32, #tpu.memory_space<hbm>> -> memref<64x4x128xf32, #tpu.memory_space<hbm>>
      tpu.enqueue_dma source(%dma_start3A_349 : memref<64x4x128xf32, #tpu.memory_space<hbm>>) target(%arg5 : memref<64x4x128xf32, #tpu.memory_space<vmem>>) target_semaphore(%arg8 : memref<!tpu.dma_semaphore, #tpu.memory_space<semaphore_mem>>)
      %dma_wait3A_350 = arith.constant 0 : i32
      %dma_wait3A_351 = arith.constant 0 : i32
      %dma_wait3A_352 = tpu.memref_slice %arg2[%select_n3A, %add3A_305, %dma_wait3A_350, %dma_wait3A_351] : memref<16x2048x4x128xf32, #tpu.memory_space<hbm>> -> memref<1x64x4x128xf32, #tpu.memory_space<hbm>>
      %dma_wait3A_353 = tpu.memref_squeeze %dma_wait3A_352 : memref<1x64x4x128xf32, #tpu.memory_space<hbm>> -> memref<64x4x128xf32, #tpu.memory_space<hbm>>
      %dma_wait3A_354 = arith.constant 0 : i32
      %dma_wait3A_355 = arith.constant 0 : i32
      %dma_wait3A_356 = tpu.memref_slice %arg2[%select_n3A, %add3A_305, %dma_wait3A_354, %dma_wait3A_355] : memref<16x2048x4x128xf32, #tpu.memory_space<hbm>> -> memref<1x64x4x128xf32, #tpu.memory_space<hbm>>
      %dma_wait3A_357 = tpu.memref_squeeze %dma_wait3A_356 : memref<1x64x4x128xf32, #tpu.memory_space<hbm>> -> memref<64x4x128xf32, #tpu.memory_space<hbm>>
      tpu.wait_dma2 semaphore(%arg10 : memref<!tpu.dma_semaphore, #tpu.memory_space<semaphore_mem>>) src(%dma_wait3A_357 : memref<64x4x128xf32, #tpu.memory_space<hbm>>) dst(%arg7 : memref<64x4x128xf32, #tpu.memory_space<vmem>>)
      %add3A_358 = arith.constant 512 : i32
      %add3A_359 = arith.addi %mul3A_32, %add3A_358 : i32
      %dma_start3A_360 = arith.constant 0 : i32
      %dma_start3A_361 = arith.constant 0 : i32
      %dma_start3A_362 = tpu.memref_slice %arg4[%select_n3A, %add3A_359, %dma_start3A_360, %dma_start3A_361] : memref<16x2048x4x128xf32, #tpu.memory_space<hbm>> -> memref<1x64x4x128xf32, #tpu.memory_space<hbm>>
      %dma_start3A_363 = tpu.memref_squeeze %dma_start3A_362 : memref<1x64x4x128xf32, #tpu.memory_space<hbm>> -> memref<64x4x128xf32, #tpu.memory_space<hbm>>
      %dma_start3A_364 = arith.constant 0 : i32
      %dma_start3A_365 = arith.constant 0 : i32
      %dma_start3A_366 = tpu.memref_slice %arg4[%select_n3A, %add3A_359, %dma_start3A_364, %dma_start3A_365] : memref<16x2048x4x128xf32, #tpu.memory_space<hbm>> -> memref<1x64x4x128xf32, #tpu.memory_space<hbm>>
      %dma_start3A_367 = tpu.memref_squeeze %dma_start3A_366 : memref<1x64x4x128xf32, #tpu.memory_space<hbm>> -> memref<64x4x128xf32, #tpu.memory_space<hbm>>
      tpu.enqueue_dma source(%arg7 : memref<64x4x128xf32, #tpu.memory_space<vmem>>) target(%dma_start3A_367 : memref<64x4x128xf32, #tpu.memory_space<hbm>>) target_semaphore(%arg13 : memref<!tpu.dma_semaphore, #tpu.memory_space<semaphore_mem>>)
      %dma_wait3A_368 = arith.constant 0 : i32
      %dma_wait3A_369 = arith.constant 0 : i32
      %dma_wait3A_370 = tpu.memref_slice %arg4[%select_n3A, %add3A_323, %dma_wait3A_368, %dma_wait3A_369] : memref<16x2048x4x128xf32, #tpu.memory_space<hbm>> -> memref<1x64x4x128xf32, #tpu.memory_space<hbm>>
      %dma_wait3A_371 = tpu.memref_squeeze %dma_wait3A_370 : memref<1x64x4x128xf32, #tpu.memory_space<hbm>> -> memref<64x4x128xf32, #tpu.memory_space<hbm>>
      %dma_wait3A_372 = arith.constant 0 : i32
      %dma_wait3A_373 = arith.constant 0 : i32
      %dma_wait3A_374 = tpu.memref_slice %arg4[%select_n3A, %add3A_323, %dma_wait3A_372, %dma_wait3A_373] : memref<16x2048x4x128xf32, #tpu.memory_space<hbm>> -> memref<1x64x4x128xf32, #tpu.memory_space<hbm>>
      %dma_wait3A_375 = tpu.memref_squeeze %dma_wait3A_374 : memref<1x64x4x128xf32, #tpu.memory_space<hbm>> -> memref<64x4x128xf32, #tpu.memory_space<hbm>>
      tpu.wait_dma2 semaphore(%arg12 : memref<!tpu.dma_semaphore, #tpu.memory_space<semaphore_mem>>) src(%arg6 : memref<64x4x128xf32, #tpu.memory_space<vmem>>) dst(%dma_wait3A_375 : memref<64x4x128xf32, #tpu.memory_space<hbm>>)
      %add3A_376 = arith.constant 640 : i32
      %add3A_377 = arith.addi %mul3A_32, %add3A_376 : i32
      %dma_start3A_378 = arith.constant 0 : i32
      %dma_start3A_379 = arith.constant 0 : i32
      %dma_start3A_380 = tpu.memref_slice %arg2[%select_n3A, %add3A_377, %dma_start3A_378, %dma_start3A_379] : memref<16x2048x4x128xf32, #tpu.memory_space<hbm>> -> memref<1x64x4x128xf32, #tpu.memory_space<hbm>>
      %dma_start3A_381 = tpu.memref_squeeze %dma_start3A_380 : memref<1x64x4x128xf32, #tpu.memory_space<hbm>> -> memref<64x4x128xf32, #tpu.memory_space<hbm>>
      %dma_start3A_382 = arith.constant 0 : i32
      %dma_start3A_383 = arith.constant 0 : i32
      %dma_start3A_384 = tpu.memref_slice %arg2[%select_n3A, %add3A_377, %dma_start3A_382, %dma_start3A_383] : memref<16x2048x4x128xf32, #tpu.memory_space<hbm>> -> memref<1x64x4x128xf32, #tpu.memory_space<hbm>>
      %dma_start3A_385 = tpu.memref_squeeze %dma_start3A_384 : memref<1x64x4x128xf32, #tpu.memory_space<hbm>> -> memref<64x4x128xf32, #tpu.memory_space<hbm>>
      tpu.enqueue_dma source(%dma_start3A_385 : memref<64x4x128xf32, #tpu.memory_space<hbm>>) target(%arg6 : memref<64x4x128xf32, #tpu.memory_space<vmem>>) target_semaphore(%arg9 : memref<!tpu.dma_semaphore, #tpu.memory_space<semaphore_mem>>)
      %dma_wait3A_386 = arith.constant 0 : i32
      %dma_wait3A_387 = arith.constant 0 : i32
      %dma_wait3A_388 = tpu.memref_slice %arg2[%select_n3A, %add3A_341, %dma_wait3A_386, %dma_wait3A_387] : memref<16x2048x4x128xf32, #tpu.memory_space<hbm>> -> memref<1x64x4x128xf32, #tpu.memory_space<hbm>>
      %dma_wait3A_389 = tpu.memref_squeeze %dma_wait3A_388 : memref<1x64x4x128xf32, #tpu.memory_space<hbm>> -> memref<64x4x128xf32, #tpu.memory_space<hbm>>
      %dma_wait3A_390 = arith.constant 0 : i32
      %dma_wait3A_391 = arith.constant 0 : i32
      %dma_wait3A_392 = tpu.memref_slice %arg2[%select_n3A, %add3A_341, %dma_wait3A_390, %dma_wait3A_391] : memref<16x2048x4x128xf32, #tpu.memory_space<hbm>> -> memref<1x64x4x128xf32, #tpu.memory_space<hbm>>
      %dma_wait3A_393 = tpu.memref_squeeze %dma_wait3A_392 : memref<1x64x4x128xf32, #tpu.memory_space<hbm>> -> memref<64x4x128xf32, #tpu.memory_space<hbm>>
      tpu.wait_dma2 semaphore(%arg8 : memref<!tpu.dma_semaphore, #tpu.memory_space<semaphore_mem>>) src(%dma_wait3A_393 : memref<64x4x128xf32, #tpu.memory_space<hbm>>) dst(%arg5 : memref<64x4x128xf32, #tpu.memory_space<vmem>>)
      %add3A_394 = arith.constant 576 : i32
      %add3A_395 = arith.addi %mul3A_32, %add3A_394 : i32
      %dma_start3A_396 = arith.constant 0 : i32
      %dma_start3A_397 = arith.constant 0 : i32
      %dma_start3A_398 = tpu.memref_slice %arg4[%select_n3A, %add3A_395, %dma_start3A_396, %dma_start3A_397] : memref<16x2048x4x128xf32, #tpu.memory_space<hbm>> -> memref<1x64x4x128xf32, #tpu.memory_space<hbm>>
      %dma_start3A_399 = tpu.memref_squeeze %dma_start3A_398 : memref<1x64x4x128xf32, #tpu.memory_space<hbm>> -> memref<64x4x128xf32, #tpu.memory_space<hbm>>
      %dma_start3A_400 = arith.constant 0 : i32
      %dma_start3A_401 = arith.constant 0 : i32
      %dma_start3A_402 = tpu.memref_slice %arg4[%select_n3A, %add3A_395, %dma_start3A_400, %dma_start3A_401] : memref<16x2048x4x128xf32, #tpu.memory_space<hbm>> -> memref<1x64x4x128xf32, #tpu.memory_space<hbm>>
      %dma_start3A_403 = tpu.memref_squeeze %dma_start3A_402 : memref<1x64x4x128xf32, #tpu.memory_space<hbm>> -> memref<64x4x128xf32, #tpu.memory_space<hbm>>
      tpu.enqueue_dma source(%arg5 : memref<64x4x128xf32, #tpu.memory_space<vmem>>) target(%dma_start3A_403 : memref<64x4x128xf32, #tpu.memory_space<hbm>>) target_semaphore(%arg11 : memref<!tpu.dma_semaphore, #tpu.memory_space<semaphore_mem>>)
      %dma_wait3A_404 = arith.constant 0 : i32
      %dma_wait3A_405 = arith.constant 0 : i32
      %dma_wait3A_406 = tpu.memref_slice %arg4[%select_n3A, %add3A_359, %dma_wait3A_404, %dma_wait3A_405] : memref<16x2048x4x128xf32, #tpu.memory_space<hbm>> -> memref<1x64x4x128xf32, #tpu.memory_space<hbm>>
      %dma_wait3A_407 = tpu.memref_squeeze %dma_wait3A_406 : memref<1x64x4x128xf32, #tpu.memory_space<hbm>> -> memref<64x4x128xf32, #tpu.memory_space<hbm>>
      %dma_wait3A_408 = arith.constant 0 : i32
      %dma_wait3A_409 = arith.constant 0 : i32
      %dma_wait3A_410 = tpu.memref_slice %arg4[%select_n3A, %add3A_359, %dma_wait3A_408, %dma_wait3A_409] : memref<16x2048x4x128xf32, #tpu.memory_space<hbm>> -> memref<1x64x4x128xf32, #tpu.memory_space<hbm>>
      %dma_wait3A_411 = tpu.memref_squeeze %dma_wait3A_410 : memref<1x64x4x128xf32, #tpu.memory_space<hbm>> -> memref<64x4x128xf32, #tpu.memory_space<hbm>>
      tpu.wait_dma2 semaphore(%arg13 : memref<!tpu.dma_semaphore, #tpu.memory_space<semaphore_mem>>) src(%arg7 : memref<64x4x128xf32, #tpu.memory_space<vmem>>) dst(%dma_wait3A_411 : memref<64x4x128xf32, #tpu.memory_space<hbm>>)
      %add3A_412 = arith.constant 704 : i32
      %add3A_413 = arith.addi %mul3A_32, %add3A_412 : i32
      %dma_start3A_414 = arith.constant 0 : i32
      %dma_start3A_415 = arith.constant 0 : i32
      %dma_start3A_416 = tpu.memref_slice %arg2[%select_n3A, %add3A_413, %dma_start3A_414, %dma_start3A_415] : memref<16x2048x4x128xf32, #tpu.memory_space<hbm>> -> memref<1x64x4x128xf32, #tpu.memory_space<hbm>>
      %dma_start3A_417 = tpu.memref_squeeze %dma_start3A_416 : memref<1x64x4x128xf32, #tpu.memory_space<hbm>> -> memref<64x4x128xf32, #tpu.memory_space<hbm>>
      %dma_start3A_418 = arith.constant 0 : i32
      %dma_start3A_419 = arith.constant 0 : i32
      %dma_start3A_420 = tpu.memref_slice %arg2[%select_n3A, %add3A_413, %dma_start3A_418, %dma_start3A_419] : memref<16x2048x4x128xf32, #tpu.memory_space<hbm>> -> memref<1x64x4x128xf32, #tpu.memory_space<hbm>>
      %dma_start3A_421 = tpu.memref_squeeze %dma_start3A_420 : memref<1x64x4x128xf32, #tpu.memory_space<hbm>> -> memref<64x4x128xf32, #tpu.memory_space<hbm>>
      tpu.enqueue_dma source(%dma_start3A_421 : memref<64x4x128xf32, #tpu.memory_space<hbm>>) target(%arg7 : memref<64x4x128xf32, #tpu.memory_space<vmem>>) target_semaphore(%arg10 : memref<!tpu.dma_semaphore, #tpu.memory_space<semaphore_mem>>)
      %dma_wait3A_422 = arith.constant 0 : i32
      %dma_wait3A_423 = arith.constant 0 : i32
      %dma_wait3A_424 = tpu.memref_slice %arg2[%select_n3A, %add3A_377, %dma_wait3A_422, %dma_wait3A_423] : memref<16x2048x4x128xf32, #tpu.memory_space<hbm>> -> memref<1x64x4x128xf32, #tpu.memory_space<hbm>>
      %dma_wait3A_425 = tpu.memref_squeeze %dma_wait3A_424 : memref<1x64x4x128xf32, #tpu.memory_space<hbm>> -> memref<64x4x128xf32, #tpu.memory_space<hbm>>
      %dma_wait3A_426 = arith.constant 0 : i32
      %dma_wait3A_427 = arith.constant 0 : i32
      %dma_wait3A_428 = tpu.memref_slice %arg2[%select_n3A, %add3A_377, %dma_wait3A_426, %dma_wait3A_427] : memref<16x2048x4x128xf32, #tpu.memory_space<hbm>> -> memref<1x64x4x128xf32, #tpu.memory_space<hbm>>
      %dma_wait3A_429 = tpu.memref_squeeze %dma_wait3A_428 : memref<1x64x4x128xf32, #tpu.memory_space<hbm>> -> memref<64x4x128xf32, #tpu.memory_space<hbm>>
      tpu.wait_dma2 semaphore(%arg9 : memref<!tpu.dma_semaphore, #tpu.memory_space<semaphore_mem>>) src(%dma_wait3A_429 : memref<64x4x128xf32, #tpu.memory_space<hbm>>) dst(%arg6 : memref<64x4x128xf32, #tpu.memory_space<vmem>>)
      %add3A_430 = arith.constant 640 : i32
      %add3A_431 = arith.addi %mul3A_32, %add3A_430 : i32
      %dma_start3A_432 = arith.constant 0 : i32
      %dma_start3A_433 = arith.constant 0 : i32
      %dma_start3A_434 = tpu.memref_slice %arg4[%select_n3A, %add3A_431, %dma_start3A_432, %dma_start3A_433] : memref<16x2048x4x128xf32, #tpu.memory_space<hbm>> -> memref<1x64x4x128xf32, #tpu.memory_space<hbm>>
      %dma_start3A_435 = tpu.memref_squeeze %dma_start3A_434 : memref<1x64x4x128xf32, #tpu.memory_space<hbm>> -> memref<64x4x128xf32, #tpu.memory_space<hbm>>
      %dma_start3A_436 = arith.constant 0 : i32
      %dma_start3A_437 = arith.constant 0 : i32
      %dma_start3A_438 = tpu.memref_slice %arg4[%select_n3A, %add3A_431, %dma_start3A_436, %dma_start3A_437] : memref<16x2048x4x128xf32, #tpu.memory_space<hbm>> -> memref<1x64x4x128xf32, #tpu.memory_space<hbm>>
      %dma_start3A_439 = tpu.memref_squeeze %dma_start3A_438 : memref<1x64x4x128xf32, #tpu.memory_space<hbm>> -> memref<64x4x128xf32, #tpu.memory_space<hbm>>
      tpu.enqueue_dma source(%arg6 : memref<64x4x128xf32, #tpu.memory_space<vmem>>) target(%dma_start3A_439 : memref<64x4x128xf32, #tpu.memory_space<hbm>>) target_semaphore(%arg12 : memref<!tpu.dma_semaphore, #tpu.memory_space<semaphore_mem>>)
      %dma_wait3A_440 = arith.constant 0 : i32
      %dma_wait3A_441 = arith.constant 0 : i32
      %dma_wait3A_442 = tpu.memref_slice %arg4[%select_n3A, %add3A_395, %dma_wait3A_440, %dma_wait3A_441] : memref<16x2048x4x128xf32, #tpu.memory_space<hbm>> -> memref<1x64x4x128xf32, #tpu.memory_space<hbm>>
      %dma_wait3A_443 = tpu.memref_squeeze %dma_wait3A_442 : memref<1x64x4x128xf32, #tpu.memory_space<hbm>> -> memref<64x4x128xf32, #tpu.memory_space<hbm>>
      %dma_wait3A_444 = arith.constant 0 : i32
      %dma_wait3A_445 = arith.constant 0 : i32
      %dma_wait3A_446 = tpu.memref_slice %arg4[%select_n3A, %add3A_395, %dma_wait3A_444, %dma_wait3A_445] : memref<16x2048x4x128xf32, #tpu.memory_space<hbm>> -> memref<1x64x4x128xf32, #tpu.memory_space<hbm>>
      %dma_wait3A_447 = tpu.memref_squeeze %dma_wait3A_446 : memref<1x64x4x128xf32, #tpu.memory_space<hbm>> -> memref<64x4x128xf32, #tpu.memory_space<hbm>>
      tpu.wait_dma2 semaphore(%arg11 : memref<!tpu.dma_semaphore, #tpu.memory_space<semaphore_mem>>) src(%arg5 : memref<64x4x128xf32, #tpu.memory_space<vmem>>) dst(%dma_wait3A_447 : memref<64x4x128xf32, #tpu.memory_space<hbm>>)
      %add3A_448 = arith.constant 768 : i32
      %add3A_449 = arith.addi %mul3A_32, %add3A_448 : i32
      %dma_start3A_450 = arith.constant 0 : i32
      %dma_start3A_451 = arith.constant 0 : i32
      %dma_start3A_452 = tpu.memref_slice %arg2[%select_n3A, %add3A_449, %dma_start3A_450, %dma_start3A_451] : memref<16x2048x4x128xf32, #tpu.memory_space<hbm>> -> memref<1x64x4x128xf32, #tpu.memory_space<hbm>>
      %dma_start3A_453 = tpu.memref_squeeze %dma_start3A_452 : memref<1x64x4x128xf32, #tpu.memory_space<hbm>> -> memref<64x4x128xf32, #tpu.memory_space<hbm>>
      %dma_start3A_454 = arith.constant 0 : i32
      %dma_start3A_455 = arith.constant 0 : i32
      %dma_start3A_456 = tpu.memref_slice %arg2[%select_n3A, %add3A_449, %dma_start3A_454, %dma_start3A_455] : memref<16x2048x4x128xf32, #tpu.memory_space<hbm>> -> memref<1x64x4x128xf32, #tpu.memory_space<hbm>>
      %dma_start3A_457 = tpu.memref_squeeze %dma_start3A_456 : memref<1x64x4x128xf32, #tpu.memory_space<hbm>> -> memref<64x4x128xf32, #tpu.memory_space<hbm>>
      tpu.enqueue_dma source(%dma_start3A_457 : memref<64x4x128xf32, #tpu.memory_space<hbm>>) target(%arg5 : memref<64x4x128xf32, #tpu.memory_space<vmem>>) target_semaphore(%arg8 : memref<!tpu.dma_semaphore, #tpu.memory_space<semaphore_mem>>)
      %dma_wait3A_458 = arith.constant 0 : i32
      %dma_wait3A_459 = arith.constant 0 : i32
      %dma_wait3A_460 = tpu.memref_slice %arg2[%select_n3A, %add3A_413, %dma_wait3A_458, %dma_wait3A_459] : memref<16x2048x4x128xf32, #tpu.memory_space<hbm>> -> memref<1x64x4x128xf32, #tpu.memory_space<hbm>>
      %dma_wait3A_461 = tpu.memref_squeeze %dma_wait3A_460 : memref<1x64x4x128xf32, #tpu.memory_space<hbm>> -> memref<64x4x128xf32, #tpu.memory_space<hbm>>
      %dma_wait3A_462 = arith.constant 0 : i32
      %dma_wait3A_463 = arith.constant 0 : i32
      %dma_wait3A_464 = tpu.memref_slice %arg2[%select_n3A, %add3A_413, %dma_wait3A_462, %dma_wait3A_463] : memref<16x2048x4x128xf32, #tpu.memory_space<hbm>> -> memref<1x64x4x128xf32, #tpu.memory_space<hbm>>
      %dma_wait3A_465 = tpu.memref_squeeze %dma_wait3A_464 : memref<1x64x4x128xf32, #tpu.memory_space<hbm>> -> memref<64x4x128xf32, #tpu.memory_space<hbm>>
      tpu.wait_dma2 semaphore(%arg10 : memref<!tpu.dma_semaphore, #tpu.memory_space<semaphore_mem>>) src(%dma_wait3A_465 : memref<64x4x128xf32, #tpu.memory_space<hbm>>) dst(%arg7 : memref<64x4x128xf32, #tpu.memory_space<vmem>>)
      %add3A_466 = arith.constant 704 : i32
      %add3A_467 = arith.addi %mul3A_32, %add3A_466 : i32
      %dma_start3A_468 = arith.constant 0 : i32
      %dma_start3A_469 = arith.constant 0 : i32
      %dma_start3A_470 = tpu.memref_slice %arg4[%select_n3A, %add3A_467, %dma_start3A_468, %dma_start3A_469] : memref<16x2048x4x128xf32, #tpu.memory_space<hbm>> -> memref<1x64x4x128xf32, #tpu.memory_space<hbm>>
      %dma_start3A_471 = tpu.memref_squeeze %dma_start3A_470 : memref<1x64x4x128xf32, #tpu.memory_space<hbm>> -> memref<64x4x128xf32, #tpu.memory_space<hbm>>
      %dma_start3A_472 = arith.constant 0 : i32
      %dma_start3A_473 = arith.constant 0 : i32
      %dma_start3A_474 = tpu.memref_slice %arg4[%select_n3A, %add3A_467, %dma_start3A_472, %dma_start3A_473] : memref<16x2048x4x128xf32, #tpu.memory_space<hbm>> -> memref<1x64x4x128xf32, #tpu.memory_space<hbm>>
      %dma_start3A_475 = tpu.memref_squeeze %dma_start3A_474 : memref<1x64x4x128xf32, #tpu.memory_space<hbm>> -> memref<64x4x128xf32, #tpu.memory_space<hbm>>
      tpu.enqueue_dma source(%arg7 : memref<64x4x128xf32, #tpu.memory_space<vmem>>) target(%dma_start3A_475 : memref<64x4x128xf32, #tpu.memory_space<hbm>>) target_semaphore(%arg13 : memref<!tpu.dma_semaphore, #tpu.memory_space<semaphore_mem>>)
      %dma_wait3A_476 = arith.constant 0 : i32
      %dma_wait3A_477 = arith.constant 0 : i32
      %dma_wait3A_478 = tpu.memref_slice %arg4[%select_n3A, %add3A_431, %dma_wait3A_476, %dma_wait3A_477] : memref<16x2048x4x128xf32, #tpu.memory_space<hbm>> -> memref<1x64x4x128xf32, #tpu.memory_space<hbm>>
      %dma_wait3A_479 = tpu.memref_squeeze %dma_wait3A_478 : memref<1x64x4x128xf32, #tpu.memory_space<hbm>> -> memref<64x4x128xf32, #tpu.memory_space<hbm>>
      %dma_wait3A_480 = arith.constant 0 : i32
      %dma_wait3A_481 = arith.constant 0 : i32
      %dma_wait3A_482 = tpu.memref_slice %arg4[%select_n3A, %add3A_431, %dma_wait3A_480, %dma_wait3A_481] : memref<16x2048x4x128xf32, #tpu.memory_space<hbm>> -> memref<1x64x4x128xf32, #tpu.memory_space<hbm>>
      %dma_wait3A_483 = tpu.memref_squeeze %dma_wait3A_482 : memref<1x64x4x128xf32, #tpu.memory_space<hbm>> -> memref<64x4x128xf32, #tpu.memory_space<hbm>>
      tpu.wait_dma2 semaphore(%arg12 : memref<!tpu.dma_semaphore, #tpu.memory_space<semaphore_mem>>) src(%arg6 : memref<64x4x128xf32, #tpu.memory_space<vmem>>) dst(%dma_wait3A_483 : memref<64x4x128xf32, #tpu.memory_space<hbm>>)
      %add3A_484 = arith.constant 832 : i32
      %add3A_485 = arith.addi %mul3A_32, %add3A_484 : i32
      %dma_start3A_486 = arith.constant 0 : i32
      %dma_start3A_487 = arith.constant 0 : i32
      %dma_start3A_488 = tpu.memref_slice %arg2[%select_n3A, %add3A_485, %dma_start3A_486, %dma_start3A_487] : memref<16x2048x4x128xf32, #tpu.memory_space<hbm>> -> memref<1x64x4x128xf32, #tpu.memory_space<hbm>>
      %dma_start3A_489 = tpu.memref_squeeze %dma_start3A_488 : memref<1x64x4x128xf32, #tpu.memory_space<hbm>> -> memref<64x4x128xf32, #tpu.memory_space<hbm>>
      %dma_start3A_490 = arith.constant 0 : i32
      %dma_start3A_491 = arith.constant 0 : i32
      %dma_start3A_492 = tpu.memref_slice %arg2[%select_n3A, %add3A_485, %dma_start3A_490, %dma_start3A_491] : memref<16x2048x4x128xf32, #tpu.memory_space<hbm>> -> memref<1x64x4x128xf32, #tpu.memory_space<hbm>>
      %dma_start3A_493 = tpu.memref_squeeze %dma_start3A_492 : memref<1x64x4x128xf32, #tpu.memory_space<hbm>> -> memref<64x4x128xf32, #tpu.memory_space<hbm>>
      tpu.enqueue_dma source(%dma_start3A_493 : memref<64x4x128xf32, #tpu.memory_space<hbm>>) target(%arg6 : memref<64x4x128xf32, #tpu.memory_space<vmem>>) target_semaphore(%arg9 : memref<!tpu.dma_semaphore, #tpu.memory_space<semaphore_mem>>)
      %dma_wait3A_494 = arith.constant 0 : i32
      %dma_wait3A_495 = arith.constant 0 : i32
      %dma_wait3A_496 = tpu.memref_slice %arg2[%select_n3A, %add3A_449, %dma_wait3A_494, %dma_wait3A_495] : memref<16x2048x4x128xf32, #tpu.memory_space<hbm>> -> memref<1x64x4x128xf32, #tpu.memory_space<hbm>>
      %dma_wait3A_497 = tpu.memref_squeeze %dma_wait3A_496 : memref<1x64x4x128xf32, #tpu.memory_space<hbm>> -> memref<64x4x128xf32, #tpu.memory_space<hbm>>
      %dma_wait3A_498 = arith.constant 0 : i32
      %dma_wait3A_499 = arith.constant 0 : i32
      %dma_wait3A_500 = tpu.memref_slice %arg2[%select_n3A, %add3A_449, %dma_wait3A_498, %dma_wait3A_499] : memref<16x2048x4x128xf32, #tpu.memory_space<hbm>> -> memref<1x64x4x128xf32, #tpu.memory_space<hbm>>
      %dma_wait3A_501 = tpu.memref_squeeze %dma_wait3A_500 : memref<1x64x4x128xf32, #tpu.memory_space<hbm>> -> memref<64x4x128xf32, #tpu.memory_space<hbm>>
      tpu.wait_dma2 semaphore(%arg8 : memref<!tpu.dma_semaphore, #tpu.memory_space<semaphore_mem>>) src(%dma_wait3A_501 : memref<64x4x128xf32, #tpu.memory_space<hbm>>) dst(%arg5 : memref<64x4x128xf32, #tpu.memory_space<vmem>>)
      %add3A_502 = arith.constant 768 : i32
      %add3A_503 = arith.addi %mul3A_32, %add3A_502 : i32
      %dma_start3A_504 = arith.constant 0 : i32
      %dma_start3A_505 = arith.constant 0 : i32
      %dma_start3A_506 = tpu.memref_slice %arg4[%select_n3A, %add3A_503, %dma_start3A_504, %dma_start3A_505] : memref<16x2048x4x128xf32, #tpu.memory_space<hbm>> -> memref<1x64x4x128xf32, #tpu.memory_space<hbm>>
      %dma_start3A_507 = tpu.memref_squeeze %dma_start3A_506 : memref<1x64x4x128xf32, #tpu.memory_space<hbm>> -> memref<64x4x128xf32, #tpu.memory_space<hbm>>
      %dma_start3A_508 = arith.constant 0 : i32
      %dma_start3A_509 = arith.constant 0 : i32
      %dma_start3A_510 = tpu.memref_slice %arg4[%select_n3A, %add3A_503, %dma_start3A_508, %dma_start3A_509] : memref<16x2048x4x128xf32, #tpu.memory_space<hbm>> -> memref<1x64x4x128xf32, #tpu.memory_space<hbm>>
      %dma_start3A_511 = tpu.memref_squeeze %dma_start3A_510 : memref<1x64x4x128xf32, #tpu.memory_space<hbm>> -> memref<64x4x128xf32, #tpu.memory_space<hbm>>
      tpu.enqueue_dma source(%arg5 : memref<64x4x128xf32, #tpu.memory_space<vmem>>) target(%dma_start3A_511 : memref<64x4x128xf32, #tpu.memory_space<hbm>>) target_semaphore(%arg11 : memref<!tpu.dma_semaphore, #tpu.memory_space<semaphore_mem>>)
      %dma_wait3A_512 = arith.constant 0 : i32
      %dma_wait3A_513 = arith.constant 0 : i32
      %dma_wait3A_514 = tpu.memref_slice %arg4[%select_n3A, %add3A_467, %dma_wait3A_512, %dma_wait3A_513] : memref<16x2048x4x128xf32, #tpu.memory_space<hbm>> -> memref<1x64x4x128xf32, #tpu.memory_space<hbm>>
      %dma_wait3A_515 = tpu.memref_squeeze %dma_wait3A_514 : memref<1x64x4x128xf32, #tpu.memory_space<hbm>> -> memref<64x4x128xf32, #tpu.memory_space<hbm>>
      %dma_wait3A_516 = arith.constant 0 : i32
      %dma_wait3A_517 = arith.constant 0 : i32
      %dma_wait3A_518 = tpu.memref_slice %arg4[%select_n3A, %add3A_467, %dma_wait3A_516, %dma_wait3A_517] : memref<16x2048x4x128xf32, #tpu.memory_space<hbm>> -> memref<1x64x4x128xf32, #tpu.memory_space<hbm>>
      %dma_wait3A_519 = tpu.memref_squeeze %dma_wait3A_518 : memref<1x64x4x128xf32, #tpu.memory_space<hbm>> -> memref<64x4x128xf32, #tpu.memory_space<hbm>>
      tpu.wait_dma2 semaphore(%arg13 : memref<!tpu.dma_semaphore, #tpu.memory_space<semaphore_mem>>) src(%arg7 : memref<64x4x128xf32, #tpu.memory_space<vmem>>) dst(%dma_wait3A_519 : memref<64x4x128xf32, #tpu.memory_space<hbm>>)
      %add3A_520 = arith.constant 896 : i32
      %add3A_521 = arith.addi %mul3A_32, %add3A_520 : i32
      %dma_start3A_522 = arith.constant 0 : i32
      %dma_start3A_523 = arith.constant 0 : i32
      %dma_start3A_524 = tpu.memref_slice %arg2[%select_n3A, %add3A_521, %dma_start3A_522, %dma_start3A_523] : memref<16x2048x4x128xf32, #tpu.memory_space<hbm>> -> memref<1x64x4x128xf32, #tpu.memory_space<hbm>>
      %dma_start3A_525 = tpu.memref_squeeze %dma_start3A_524 : memref<1x64x4x128xf32, #tpu.memory_space<hbm>> -> memref<64x4x128xf32, #tpu.memory_space<hbm>>
      %dma_start3A_526 = arith.constant 0 : i32
      %dma_start3A_527 = arith.constant 0 : i32
      %dma_start3A_528 = tpu.memref_slice %arg2[%select_n3A, %add3A_521, %dma_start3A_526, %dma_start3A_527] : memref<16x2048x4x128xf32, #tpu.memory_space<hbm>> -> memref<1x64x4x128xf32, #tpu.memory_space<hbm>>
      %dma_start3A_529 = tpu.memref_squeeze %dma_start3A_528 : memref<1x64x4x128xf32, #tpu.memory_space<hbm>> -> memref<64x4x128xf32, #tpu.memory_space<hbm>>
      tpu.enqueue_dma source(%dma_start3A_529 : memref<64x4x128xf32, #tpu.memory_space<hbm>>) target(%arg7 : memref<64x4x128xf32, #tpu.memory_space<vmem>>) target_semaphore(%arg10 : memref<!tpu.dma_semaphore, #tpu.memory_space<semaphore_mem>>)
      %dma_wait3A_530 = arith.constant 0 : i32
      %dma_wait3A_531 = arith.constant 0 : i32
      %dma_wait3A_532 = tpu.memref_slice %arg2[%select_n3A, %add3A_485, %dma_wait3A_530, %dma_wait3A_531] : memref<16x2048x4x128xf32, #tpu.memory_space<hbm>> -> memref<1x64x4x128xf32, #tpu.memory_space<hbm>>
      %dma_wait3A_533 = tpu.memref_squeeze %dma_wait3A_532 : memref<1x64x4x128xf32, #tpu.memory_space<hbm>> -> memref<64x4x128xf32, #tpu.memory_space<hbm>>
      %dma_wait3A_534 = arith.constant 0 : i32
      %dma_wait3A_535 = arith.constant 0 : i32
      %dma_wait3A_536 = tpu.memref_slice %arg2[%select_n3A, %add3A_485, %dma_wait3A_534, %dma_wait3A_535] : memref<16x2048x4x128xf32, #tpu.memory_space<hbm>> -> memref<1x64x4x128xf32, #tpu.memory_space<hbm>>
      %dma_wait3A_537 = tpu.memref_squeeze %dma_wait3A_536 : memref<1x64x4x128xf32, #tpu.memory_space<hbm>> -> memref<64x4x128xf32, #tpu.memory_space<hbm>>
      tpu.wait_dma2 semaphore(%arg9 : memref<!tpu.dma_semaphore, #tpu.memory_space<semaphore_mem>>) src(%dma_wait3A_537 : memref<64x4x128xf32, #tpu.memory_space<hbm>>) dst(%arg6 : memref<64x4x128xf32, #tpu.memory_space<vmem>>)
      %add3A_538 = arith.constant 832 : i32
      %add3A_539 = arith.addi %mul3A_32, %add3A_538 : i32
      %dma_start3A_540 = arith.constant 0 : i32
      %dma_start3A_541 = arith.constant 0 : i32
      %dma_start3A_542 = tpu.memref_slice %arg4[%select_n3A, %add3A_539, %dma_start3A_540, %dma_start3A_541] : memref<16x2048x4x128xf32, #tpu.memory_space<hbm>> -> memref<1x64x4x128xf32, #tpu.memory_space<hbm>>
      %dma_start3A_543 = tpu.memref_squeeze %dma_start3A_542 : memref<1x64x4x128xf32, #tpu.memory_space<hbm>> -> memref<64x4x128xf32, #tpu.memory_space<hbm>>
      %dma_start3A_544 = arith.constant 0 : i32
      %dma_start3A_545 = arith.constant 0 : i32
      %dma_start3A_546 = tpu.memref_slice %arg4[%select_n3A, %add3A_539, %dma_start3A_544, %dma_start3A_545] : memref<16x2048x4x128xf32, #tpu.memory_space<hbm>> -> memref<1x64x4x128xf32, #tpu.memory_space<hbm>>
      %dma_start3A_547 = tpu.memref_squeeze %dma_start3A_546 : memref<1x64x4x128xf32, #tpu.memory_space<hbm>> -> memref<64x4x128xf32, #tpu.memory_space<hbm>>
      tpu.enqueue_dma source(%arg6 : memref<64x4x128xf32, #tpu.memory_space<vmem>>) target(%dma_start3A_547 : memref<64x4x128xf32, #tpu.memory_space<hbm>>) target_semaphore(%arg12 : memref<!tpu.dma_semaphore, #tpu.memory_space<semaphore_mem>>)
      %dma_wait3A_548 = arith.constant 0 : i32
      %dma_wait3A_549 = arith.constant 0 : i32
      %dma_wait3A_550 = tpu.memref_slice %arg4[%select_n3A, %add3A_503, %dma_wait3A_548, %dma_wait3A_549] : memref<16x2048x4x128xf32, #tpu.memory_space<hbm>> -> memref<1x64x4x128xf32, #tpu.memory_space<hbm>>
      %dma_wait3A_551 = tpu.memref_squeeze %dma_wait3A_550 : memref<1x64x4x128xf32, #tpu.memory_space<hbm>> -> memref<64x4x128xf32, #tpu.memory_space<hbm>>
      %dma_wait3A_552 = arith.constant 0 : i32
      %dma_wait3A_553 = arith.constant 0 : i32
      %dma_wait3A_554 = tpu.memref_slice %arg4[%select_n3A, %add3A_503, %dma_wait3A_552, %dma_wait3A_553] : memref<16x2048x4x128xf32, #tpu.memory_space<hbm>> -> memref<1x64x4x128xf32, #tpu.memory_space<hbm>>
      %dma_wait3A_555 = tpu.memref_squeeze %dma_wait3A_554 : memref<1x64x4x128xf32, #tpu.memory_space<hbm>> -> memref<64x4x128xf32, #tpu.memory_space<hbm>>
      tpu.wait_dma2 semaphore(%arg11 : memref<!tpu.dma_semaphore, #tpu.memory_space<semaphore_mem>>) src(%arg5 : memref<64x4x128xf32, #tpu.memory_space<vmem>>) dst(%dma_wait3A_555 : memref<64x4x128xf32, #tpu.memory_space<hbm>>)
      %add3A_556 = arith.constant 960 : i32
      %add3A_557 = arith.addi %mul3A_32, %add3A_556 : i32
      %dma_start3A_558 = arith.constant 0 : i32
      %dma_start3A_559 = arith.constant 0 : i32
      %dma_start3A_560 = tpu.memref_slice %arg2[%select_n3A, %add3A_557, %dma_start3A_558, %dma_start3A_559] : memref<16x2048x4x128xf32, #tpu.memory_space<hbm>> -> memref<1x64x4x128xf32, #tpu.memory_space<hbm>>
      %dma_start3A_561 = tpu.memref_squeeze %dma_start3A_560 : memref<1x64x4x128xf32, #tpu.memory_space<hbm>> -> memref<64x4x128xf32, #tpu.memory_space<hbm>>
      %dma_start3A_562 = arith.constant 0 : i32
      %dma_start3A_563 = arith.constant 0 : i32
      %dma_start3A_564 = tpu.memref_slice %arg2[%select_n3A, %add3A_557, %dma_start3A_562, %dma_start3A_563] : memref<16x2048x4x128xf32, #tpu.memory_space<hbm>> -> memref<1x64x4x128xf32, #tpu.memory_space<hbm>>
      %dma_start3A_565 = tpu.memref_squeeze %dma_start3A_564 : memref<1x64x4x128xf32, #tpu.memory_space<hbm>> -> memref<64x4x128xf32, #tpu.memory_space<hbm>>
      tpu.enqueue_dma source(%dma_start3A_565 : memref<64x4x128xf32, #tpu.memory_space<hbm>>) target(%arg5 : memref<64x4x128xf32, #tpu.memory_space<vmem>>) target_semaphore(%arg8 : memref<!tpu.dma_semaphore, #tpu.memory_space<semaphore_mem>>)
      %dma_wait3A_566 = arith.constant 0 : i32
      %dma_wait3A_567 = arith.constant 0 : i32
      %dma_wait3A_568 = tpu.memref_slice %arg2[%select_n3A, %add3A_521, %dma_wait3A_566, %dma_wait3A_567] : memref<16x2048x4x128xf32, #tpu.memory_space<hbm>> -> memref<1x64x4x128xf32, #tpu.memory_space<hbm>>
      %dma_wait3A_569 = tpu.memref_squeeze %dma_wait3A_568 : memref<1x64x4x128xf32, #tpu.memory_space<hbm>> -> memref<64x4x128xf32, #tpu.memory_space<hbm>>
      %dma_wait3A_570 = arith.constant 0 : i32
      %dma_wait3A_571 = arith.constant 0 : i32
      %dma_wait3A_572 = tpu.memref_slice %arg2[%select_n3A, %add3A_521, %dma_wait3A_570, %dma_wait3A_571] : memref<16x2048x4x128xf32, #tpu.memory_space<hbm>> -> memref<1x64x4x128xf32, #tpu.memory_space<hbm>>
      %dma_wait3A_573 = tpu.memref_squeeze %dma_wait3A_572 : memref<1x64x4x128xf32, #tpu.memory_space<hbm>> -> memref<64x4x128xf32, #tpu.memory_space<hbm>>
      tpu.wait_dma2 semaphore(%arg10 : memref<!tpu.dma_semaphore, #tpu.memory_space<semaphore_mem>>) src(%dma_wait3A_573 : memref<64x4x128xf32, #tpu.memory_space<hbm>>) dst(%arg7 : memref<64x4x128xf32, #tpu.memory_space<vmem>>)
      %add3A_574 = arith.constant 896 : i32
      %add3A_575 = arith.addi %mul3A_32, %add3A_574 : i32
      %dma_start3A_576 = arith.constant 0 : i32
      %dma_start3A_577 = arith.constant 0 : i32
      %dma_start3A_578 = tpu.memref_slice %arg4[%select_n3A, %add3A_575, %dma_start3A_576, %dma_start3A_577] : memref<16x2048x4x128xf32, #tpu.memory_space<hbm>> -> memref<1x64x4x128xf32, #tpu.memory_space<hbm>>
      %dma_start3A_579 = tpu.memref_squeeze %dma_start3A_578 : memref<1x64x4x128xf32, #tpu.memory_space<hbm>> -> memref<64x4x128xf32, #tpu.memory_space<hbm>>
      %dma_start3A_580 = arith.constant 0 : i32
      %dma_start3A_581 = arith.constant 0 : i32
      %dma_start3A_582 = tpu.memref_slice %arg4[%select_n3A, %add3A_575, %dma_start3A_580, %dma_start3A_581] : memref<16x2048x4x128xf32, #tpu.memory_space<hbm>> -> memref<1x64x4x128xf32, #tpu.memory_space<hbm>>
      %dma_start3A_583 = tpu.memref_squeeze %dma_start3A_582 : memref<1x64x4x128xf32, #tpu.memory_space<hbm>> -> memref<64x4x128xf32, #tpu.memory_space<hbm>>
      tpu.enqueue_dma source(%arg7 : memref<64x4x128xf32, #tpu.memory_space<vmem>>) target(%dma_start3A_583 : memref<64x4x128xf32, #tpu.memory_space<hbm>>) target_semaphore(%arg13 : memref<!tpu.dma_semaphore, #tpu.memory_space<semaphore_mem>>)
      %dma_wait3A_584 = arith.constant 0 : i32
      %dma_wait3A_585 = arith.constant 0 : i32
      %dma_wait3A_586 = tpu.memref_slice %arg2[%select_n3A, %add3A_557, %dma_wait3A_584, %dma_wait3A_585] : memref<16x2048x4x128xf32, #tpu.memory_space<hbm>> -> memref<1x64x4x128xf32, #tpu.memory_space<hbm>>
      %dma_wait3A_587 = tpu.memref_squeeze %dma_wait3A_586 : memref<1x64x4x128xf32, #tpu.memory_space<hbm>> -> memref<64x4x128xf32, #tpu.memory_space<hbm>>
      %dma_wait3A_588 = arith.constant 0 : i32
      %dma_wait3A_589 = arith.constant 0 : i32
      %dma_wait3A_590 = tpu.memref_slice %arg2[%select_n3A, %add3A_557, %dma_wait3A_588, %dma_wait3A_589] : memref<16x2048x4x128xf32, #tpu.memory_space<hbm>> -> memref<1x64x4x128xf32, #tpu.memory_space<hbm>>
      %dma_wait3A_591 = tpu.memref_squeeze %dma_wait3A_590 : memref<1x64x4x128xf32, #tpu.memory_space<hbm>> -> memref<64x4x128xf32, #tpu.memory_space<hbm>>
      tpu.wait_dma2 semaphore(%arg8 : memref<!tpu.dma_semaphore, #tpu.memory_space<semaphore_mem>>) src(%dma_wait3A_591 : memref<64x4x128xf32, #tpu.memory_space<hbm>>) dst(%arg5 : memref<64x4x128xf32, #tpu.memory_space<vmem>>)
      %add3A_592 = arith.constant 960 : i32
      %add3A_593 = arith.addi %mul3A_32, %add3A_592 : i32
      %dma_start3A_594 = arith.constant 0 : i32
      %dma_start3A_595 = arith.constant 0 : i32
      %dma_start3A_596 = tpu.memref_slice %arg4[%select_n3A, %add3A_593, %dma_start3A_594, %dma_start3A_595] : memref<16x2048x4x128xf32, #tpu.memory_space<hbm>> -> memref<1x64x4x128xf32, #tpu.memory_space<hbm>>
      %dma_start3A_597 = tpu.memref_squeeze %dma_start3A_596 : memref<1x64x4x128xf32, #tpu.memory_space<hbm>> -> memref<64x4x128xf32, #tpu.memory_space<hbm>>
      %dma_start3A_598 = arith.constant 0 : i32
      %dma_start3A_599 = arith.constant 0 : i32
      %dma_start3A_600 = tpu.memref_slice %arg4[%select_n3A, %add3A_593, %dma_start3A_598, %dma_start3A_599] : memref<16x2048x4x128xf32, #tpu.memory_space<hbm>> -> memref<1x64x4x128xf32, #tpu.memory_space<hbm>>
      %dma_start3A_601 = tpu.memref_squeeze %dma_start3A_600 : memref<1x64x4x128xf32, #tpu.memory_space<hbm>> -> memref<64x4x128xf32, #tpu.memory_space<hbm>>
      tpu.enqueue_dma source(%arg5 : memref<64x4x128xf32, #tpu.memory_space<vmem>>) target(%dma_start3A_601 : memref<64x4x128xf32, #tpu.memory_space<hbm>>) target_semaphore(%arg11 : memref<!tpu.dma_semaphore, #tpu.memory_space<semaphore_mem>>)
      %dma_wait3A_602 = arith.constant 0 : i32
      %dma_wait3A_603 = arith.constant 0 : i32
      %dma_wait3A_604 = tpu.memref_slice %arg4[%select_n3A, %add3A_539, %dma_wait3A_602, %dma_wait3A_603] : memref<16x2048x4x128xf32, #tpu.memory_space<hbm>> -> memref<1x64x4x128xf32, #tpu.memory_space<hbm>>
      %dma_wait3A_605 = tpu.memref_squeeze %dma_wait3A_604 : memref<1x64x4x128xf32, #tpu.memory_space<hbm>> -> memref<64x4x128xf32, #tpu.memory_space<hbm>>
      %dma_wait3A_606 = arith.constant 0 : i32
      %dma_wait3A_607 = arith.constant 0 : i32
      %dma_wait3A_608 = tpu.memref_slice %arg4[%select_n3A, %add3A_539, %dma_wait3A_606, %dma_wait3A_607] : memref<16x2048x4x128xf32, #tpu.memory_space<hbm>> -> memref<1x64x4x128xf32, #tpu.memory_space<hbm>>
      %dma_wait3A_609 = tpu.memref_squeeze %dma_wait3A_608 : memref<1x64x4x128xf32, #tpu.memory_space<hbm>> -> memref<64x4x128xf32, #tpu.memory_space<hbm>>
      tpu.wait_dma2 semaphore(%arg12 : memref<!tpu.dma_semaphore, #tpu.memory_space<semaphore_mem>>) src(%arg6 : memref<64x4x128xf32, #tpu.memory_space<vmem>>) dst(%dma_wait3A_609 : memref<64x4x128xf32, #tpu.memory_space<hbm>>)
      %dma_wait3A_610 = arith.constant 0 : i32
      %dma_wait3A_611 = arith.constant 0 : i32
      %dma_wait3A_612 = tpu.memref_slice %arg4[%select_n3A, %add3A_575, %dma_wait3A_610, %dma_wait3A_611] : memref<16x2048x4x128xf32, #tpu.memory_space<hbm>> -> memref<1x64x4x128xf32, #tpu.memory_space<hbm>>
      %dma_wait3A_613 = tpu.memref_squeeze %dma_wait3A_612 : memref<1x64x4x128xf32, #tpu.memory_space<hbm>> -> memref<64x4x128xf32, #tpu.memory_space<hbm>>
      %dma_wait3A_614 = arith.constant 0 : i32
      %dma_wait3A_615 = arith.constant 0 : i32
      %dma_wait3A_616 = tpu.memref_slice %arg4[%select_n3A, %add3A_575, %dma_wait3A_614, %dma_wait3A_615] : memref<16x2048x4x128xf32, #tpu.memory_space<hbm>> -> memref<1x64x4x128xf32, #tpu.memory_space<hbm>>
      %dma_wait3A_617 = tpu.memref_squeeze %dma_wait3A_616 : memref<1x64x4x128xf32, #tpu.memory_space<hbm>> -> memref<64x4x128xf32, #tpu.memory_space<hbm>>
      tpu.wait_dma2 semaphore(%arg13 : memref<!tpu.dma_semaphore, #tpu.memory_space<semaphore_mem>>) src(%arg7 : memref<64x4x128xf32, #tpu.memory_space<vmem>>) dst(%dma_wait3A_617 : memref<64x4x128xf32, #tpu.memory_space<hbm>>)
      %dma_wait3A_618 = arith.constant 0 : i32
      %dma_wait3A_619 = arith.constant 0 : i32
      %dma_wait3A_620 = tpu.memref_slice %arg4[%select_n3A, %add3A_593, %dma_wait3A_618, %dma_wait3A_619] : memref<16x2048x4x128xf32, #tpu.memory_space<hbm>> -> memref<1x64x4x128xf32, #tpu.memory_space<hbm>>
      %dma_wait3A_621 = tpu.memref_squeeze %dma_wait3A_620 : memref<1x64x4x128xf32, #tpu.memory_space<hbm>> -> memref<64x4x128xf32, #tpu.memory_space<hbm>>
      %dma_wait3A_622 = arith.constant 0 : i32
      %dma_wait3A_623 = arith.constant 0 : i32
      %dma_wait3A_624 = tpu.memref_slice %arg4[%select_n3A, %add3A_593, %dma_wait3A_622, %dma_wait3A_623] : memref<16x2048x4x128xf32, #tpu.memory_space<hbm>> -> memref<1x64x4x128xf32, #tpu.memory_space<hbm>>
      %dma_wait3A_625 = tpu.memref_squeeze %dma_wait3A_624 : memref<1x64x4x128xf32, #tpu.memory_space<hbm>> -> memref<64x4x128xf32, #tpu.memory_space<hbm>>
      tpu.wait_dma2 semaphore(%arg11 : memref<!tpu.dma_semaphore, #tpu.memory_space<semaphore_mem>>) src(%arg5 : memref<64x4x128xf32, #tpu.memory_space<vmem>>) dst(%dma_wait3A_625 : memref<64x4x128xf32, #tpu.memory_space<hbm>>)
    } else {
    }
    %convert_element_type3A_49 = arith.extui %or3A_44 : i1 to i32
    %cond3A_50 = arith.constant 0 : i32
    %cond3A_51 = arith.cmpi ne, %convert_element_type3A_49, %cond3A_50 : i32
    scf.if %cond3A_51 {
      %dma_start3A = arith.constant 0 : i32
      %dma_start3A_52 = arith.constant 0 : i32
      %dma_start3A_53 = arith.constant 0 : i32
      %dma_start3A_54 = tpu.memref_slice %arg3[%dma_start3A, %dma_start3A_52, %dma_start3A_53] : memref<64x4x128xf32, #tpu.memory_space<hbm>> -> memref<64x4x128xf32, #tpu.memory_space<hbm>>
      %dma_start3A_55 = arith.constant 0 : i32
      %dma_start3A_56 = arith.constant 0 : i32
      %dma_start3A_57 = arith.constant 0 : i32
      %dma_start3A_58 = tpu.memref_slice %arg3[%dma_start3A_55, %dma_start3A_56, %dma_start3A_57] : memref<64x4x128xf32, #tpu.memory_space<hbm>> -> memref<64x4x128xf32, #tpu.memory_space<hbm>>
      tpu.enqueue_dma source(%dma_start3A_58 : memref<64x4x128xf32, #tpu.memory_space<hbm>>) target(%arg5 : memref<64x4x128xf32, #tpu.memory_space<vmem>>) target_semaphore(%arg8 : memref<!tpu.dma_semaphore, #tpu.memory_space<semaphore_mem>>)
      %dma_wait3A = arith.constant 0 : i32
      %dma_wait3A_59 = arith.constant 0 : i32
      %dma_wait3A_60 = arith.constant 0 : i32
      %dma_wait3A_61 = tpu.memref_slice %arg3[%dma_wait3A, %dma_wait3A_59, %dma_wait3A_60] : memref<64x4x128xf32, #tpu.memory_space<hbm>> -> memref<64x4x128xf32, #tpu.memory_space<hbm>>
      %dma_wait3A_62 = arith.constant 0 : i32
      %dma_wait3A_63 = arith.constant 0 : i32
      %dma_wait3A_64 = arith.constant 0 : i32
      %dma_wait3A_65 = tpu.memref_slice %arg3[%dma_wait3A_62, %dma_wait3A_63, %dma_wait3A_64] : memref<64x4x128xf32, #tpu.memory_space<hbm>> -> memref<64x4x128xf32, #tpu.memory_space<hbm>>
      tpu.wait_dma2 semaphore(%arg8 : memref<!tpu.dma_semaphore, #tpu.memory_space<semaphore_mem>>) src(%dma_wait3A_65 : memref<64x4x128xf32, #tpu.memory_space<hbm>>) dst(%arg5 : memref<64x4x128xf32, #tpu.memory_space<vmem>>)
      %add3A_66 = arith.constant 0 : i32
      %add3A_67 = arith.addi %mul3A_32, %add3A_66 : i32
      %dma_start3A_68 = arith.constant 0 : i32
      %dma_start3A_69 = arith.constant 0 : i32
      %dma_start3A_70 = tpu.memref_slice %arg4[%select_n3A, %add3A_67, %dma_start3A_68, %dma_start3A_69] : memref<16x2048x4x128xf32, #tpu.memory_space<hbm>> -> memref<1x64x4x128xf32, #tpu.memory_space<hbm>>
      %dma_start3A_71 = tpu.memref_squeeze %dma_start3A_70 : memref<1x64x4x128xf32, #tpu.memory_space<hbm>> -> memref<64x4x128xf32, #tpu.memory_space<hbm>>
      %dma_start3A_72 = arith.constant 0 : i32
      %dma_start3A_73 = arith.constant 0 : i32
      %dma_start3A_74 = tpu.memref_slice %arg4[%select_n3A, %add3A_67, %dma_start3A_72, %dma_start3A_73] : memref<16x2048x4x128xf32, #tpu.memory_space<hbm>> -> memref<1x64x4x128xf32, #tpu.memory_space<hbm>>
      %dma_start3A_75 = tpu.memref_squeeze %dma_start3A_74 : memref<1x64x4x128xf32, #tpu.memory_space<hbm>> -> memref<64x4x128xf32, #tpu.memory_space<hbm>>
      tpu.enqueue_dma source(%arg5 : memref<64x4x128xf32, #tpu.memory_space<vmem>>) target(%dma_start3A_75 : memref<64x4x128xf32, #tpu.memory_space<hbm>>) target_semaphore(%arg11 : memref<!tpu.dma_semaphore, #tpu.memory_space<semaphore_mem>>)
      %add3A_76 = arith.constant 64 : i32
      %add3A_77 = arith.addi %mul3A_32, %add3A_76 : i32
      %dma_start3A_78 = arith.constant 0 : i32
      %dma_start3A_79 = arith.constant 0 : i32
      %dma_start3A_80 = tpu.memref_slice %arg4[%select_n3A, %add3A_77, %dma_start3A_78, %dma_start3A_79] : memref<16x2048x4x128xf32, #tpu.memory_space<hbm>> -> memref<1x64x4x128xf32, #tpu.memory_space<hbm>>
      %dma_start3A_81 = tpu.memref_squeeze %dma_start3A_80 : memref<1x64x4x128xf32, #tpu.memory_space<hbm>> -> memref<64x4x128xf32, #tpu.memory_space<hbm>>
      %dma_start3A_82 = arith.constant 0 : i32
      %dma_start3A_83 = arith.constant 0 : i32
      %dma_start3A_84 = tpu.memref_slice %arg4[%select_n3A, %add3A_77, %dma_start3A_82, %dma_start3A_83] : memref<16x2048x4x128xf32, #tpu.memory_space<hbm>> -> memref<1x64x4x128xf32, #tpu.memory_space<hbm>>
      %dma_start3A_85 = tpu.memref_squeeze %dma_start3A_84 : memref<1x64x4x128xf32, #tpu.memory_space<hbm>> -> memref<64x4x128xf32, #tpu.memory_space<hbm>>
      tpu.enqueue_dma source(%arg5 : memref<64x4x128xf32, #tpu.memory_space<vmem>>) target(%dma_start3A_85 : memref<64x4x128xf32, #tpu.memory_space<hbm>>) target_semaphore(%arg11 : memref<!tpu.dma_semaphore, #tpu.memory_space<semaphore_mem>>)
      %add3A_86 = arith.constant 128 : i32
      %add3A_87 = arith.addi %mul3A_32, %add3A_86 : i32
      %dma_start3A_88 = arith.constant 0 : i32
      %dma_start3A_89 = arith.constant 0 : i32
      %dma_start3A_90 = tpu.memref_slice %arg4[%select_n3A, %add3A_87, %dma_start3A_88, %dma_start3A_89] : memref<16x2048x4x128xf32, #tpu.memory_space<hbm>> -> memref<1x64x4x128xf32, #tpu.memory_space<hbm>>
      %dma_start3A_91 = tpu.memref_squeeze %dma_start3A_90 : memref<1x64x4x128xf32, #tpu.memory_space<hbm>> -> memref<64x4x128xf32, #tpu.memory_space<hbm>>
      %dma_start3A_92 = arith.constant 0 : i32
      %dma_start3A_93 = arith.constant 0 : i32
      %dma_start3A_94 = tpu.memref_slice %arg4[%select_n3A, %add3A_87, %dma_start3A_92, %dma_start3A_93] : memref<16x2048x4x128xf32, #tpu.memory_space<hbm>> -> memref<1x64x4x128xf32, #tpu.memory_space<hbm>>
      %dma_start3A_95 = tpu.memref_squeeze %dma_start3A_94 : memref<1x64x4x128xf32, #tpu.memory_space<hbm>> -> memref<64x4x128xf32, #tpu.memory_space<hbm>>
      tpu.enqueue_dma source(%arg5 : memref<64x4x128xf32, #tpu.memory_space<vmem>>) target(%dma_start3A_95 : memref<64x4x128xf32, #tpu.memory_space<hbm>>) target_semaphore(%arg11 : memref<!tpu.dma_semaphore, #tpu.memory_space<semaphore_mem>>)
      %add3A_96 = arith.constant 192 : i32
      %add3A_97 = arith.addi %mul3A_32, %add3A_96 : i32
      %dma_start3A_98 = arith.constant 0 : i32
      %dma_start3A_99 = arith.constant 0 : i32
      %dma_start3A_100 = tpu.memref_slice %arg4[%select_n3A, %add3A_97, %dma_start3A_98, %dma_start3A_99] : memref<16x2048x4x128xf32, #tpu.memory_space<hbm>> -> memref<1x64x4x128xf32, #tpu.memory_space<hbm>>
      %dma_start3A_101 = tpu.memref_squeeze %dma_start3A_100 : memref<1x64x4x128xf32, #tpu.memory_space<hbm>> -> memref<64x4x128xf32, #tpu.memory_space<hbm>>
      %dma_start3A_102 = arith.constant 0 : i32
      %dma_start3A_103 = arith.constant 0 : i32
      %dma_start3A_104 = tpu.memref_slice %arg4[%select_n3A, %add3A_97, %dma_start3A_102, %dma_start3A_103] : memref<16x2048x4x128xf32, #tpu.memory_space<hbm>> -> memref<1x64x4x128xf32, #tpu.memory_space<hbm>>
      %dma_start3A_105 = tpu.memref_squeeze %dma_start3A_104 : memref<1x64x4x128xf32, #tpu.memory_space<hbm>> -> memref<64x4x128xf32, #tpu.memory_space<hbm>>
      tpu.enqueue_dma source(%arg5 : memref<64x4x128xf32, #tpu.memory_space<vmem>>) target(%dma_start3A_105 : memref<64x4x128xf32, #tpu.memory_space<hbm>>) target_semaphore(%arg11 : memref<!tpu.dma_semaphore, #tpu.memory_space<semaphore_mem>>)
      %add3A_106 = arith.constant 256 : i32
      %add3A_107 = arith.addi %mul3A_32, %add3A_106 : i32
      %dma_start3A_108 = arith.constant 0 : i32
      %dma_start3A_109 = arith.constant 0 : i32
      %dma_start3A_110 = tpu.memref_slice %arg4[%select_n3A, %add3A_107, %dma_start3A_108, %dma_start3A_109] : memref<16x2048x4x128xf32, #tpu.memory_space<hbm>> -> memref<1x64x4x128xf32, #tpu.memory_space<hbm>>
      %dma_start3A_111 = tpu.memref_squeeze %dma_start3A_110 : memref<1x64x4x128xf32, #tpu.memory_space<hbm>> -> memref<64x4x128xf32, #tpu.memory_space<hbm>>
      %dma_start3A_112 = arith.constant 0 : i32
      %dma_start3A_113 = arith.constant 0 : i32
      %dma_start3A_114 = tpu.memref_slice %arg4[%select_n3A, %add3A_107, %dma_start3A_112, %dma_start3A_113] : memref<16x2048x4x128xf32, #tpu.memory_space<hbm>> -> memref<1x64x4x128xf32, #tpu.memory_space<hbm>>
      %dma_start3A_115 = tpu.memref_squeeze %dma_start3A_114 : memref<1x64x4x128xf32, #tpu.memory_space<hbm>> -> memref<64x4x128xf32, #tpu.memory_space<hbm>>
      tpu.enqueue_dma source(%arg5 : memref<64x4x128xf32, #tpu.memory_space<vmem>>) target(%dma_start3A_115 : memref<64x4x128xf32, #tpu.memory_space<hbm>>) target_semaphore(%arg11 : memref<!tpu.dma_semaphore, #tpu.memory_space<semaphore_mem>>)
      %add3A_116 = arith.constant 320 : i32
      %add3A_117 = arith.addi %mul3A_32, %add3A_116 : i32
      %dma_start3A_118 = arith.constant 0 : i32
      %dma_start3A_119 = arith.constant 0 : i32
      %dma_start3A_120 = tpu.memref_slice %arg4[%select_n3A, %add3A_117, %dma_start3A_118, %dma_start3A_119] : memref<16x2048x4x128xf32, #tpu.memory_space<hbm>> -> memref<1x64x4x128xf32, #tpu.memory_space<hbm>>
      %dma_start3A_121 = tpu.memref_squeeze %dma_start3A_120 : memref<1x64x4x128xf32, #tpu.memory_space<hbm>> -> memref<64x4x128xf32, #tpu.memory_space<hbm>>
      %dma_start3A_122 = arith.constant 0 : i32
      %dma_start3A_123 = arith.constant 0 : i32
      %dma_start3A_124 = tpu.memref_slice %arg4[%select_n3A, %add3A_117, %dma_start3A_122, %dma_start3A_123] : memref<16x2048x4x128xf32, #tpu.memory_space<hbm>> -> memref<1x64x4x128xf32, #tpu.memory_space<hbm>>
      %dma_start3A_125 = tpu.memref_squeeze %dma_start3A_124 : memref<1x64x4x128xf32, #tpu.memory_space<hbm>> -> memref<64x4x128xf32, #tpu.memory_space<hbm>>
      tpu.enqueue_dma source(%arg5 : memref<64x4x128xf32, #tpu.memory_space<vmem>>) target(%dma_start3A_125 : memref<64x4x128xf32, #tpu.memory_space<hbm>>) target_semaphore(%arg11 : memref<!tpu.dma_semaphore, #tpu.memory_space<semaphore_mem>>)
      %add3A_126 = arith.constant 384 : i32
      %add3A_127 = arith.addi %mul3A_32, %add3A_126 : i32
      %dma_start3A_128 = arith.constant 0 : i32
      %dma_start3A_129 = arith.constant 0 : i32
      %dma_start3A_130 = tpu.memref_slice %arg4[%select_n3A, %add3A_127, %dma_start3A_128, %dma_start3A_129] : memref<16x2048x4x128xf32, #tpu.memory_space<hbm>> -> memref<1x64x4x128xf32, #tpu.memory_space<hbm>>
      %dma_start3A_131 = tpu.memref_squeeze %dma_start3A_130 : memref<1x64x4x128xf32, #tpu.memory_space<hbm>> -> memref<64x4x128xf32, #tpu.memory_space<hbm>>
      %dma_start3A_132 = arith.constant 0 : i32
      %dma_start3A_133 = arith.constant 0 : i32
      %dma_start3A_134 = tpu.memref_slice %arg4[%select_n3A, %add3A_127, %dma_start3A_132, %dma_start3A_133] : memref<16x2048x4x128xf32, #tpu.memory_space<hbm>> -> memref<1x64x4x128xf32, #tpu.memory_space<hbm>>
      %dma_start3A_135 = tpu.memref_squeeze %dma_start3A_134 : memref<1x64x4x128xf32, #tpu.memory_space<hbm>> -> memref<64x4x128xf32, #tpu.memory_space<hbm>>
      tpu.enqueue_dma source(%arg5 : memref<64x4x128xf32, #tpu.memory_space<vmem>>) target(%dma_start3A_135 : memref<64x4x128xf32, #tpu.memory_space<hbm>>) target_semaphore(%arg11 : memref<!tpu.dma_semaphore, #tpu.memory_space<semaphore_mem>>)
      %add3A_136 = arith.constant 448 : i32
      %add3A_137 = arith.addi %mul3A_32, %add3A_136 : i32
      %dma_start3A_138 = arith.constant 0 : i32
      %dma_start3A_139 = arith.constant 0 : i32
      %dma_start3A_140 = tpu.memref_slice %arg4[%select_n3A, %add3A_137, %dma_start3A_138, %dma_start3A_139] : memref<16x2048x4x128xf32, #tpu.memory_space<hbm>> -> memref<1x64x4x128xf32, #tpu.memory_space<hbm>>
      %dma_start3A_141 = tpu.memref_squeeze %dma_start3A_140 : memref<1x64x4x128xf32, #tpu.memory_space<hbm>> -> memref<64x4x128xf32, #tpu.memory_space<hbm>>
      %dma_start3A_142 = arith.constant 0 : i32
      %dma_start3A_143 = arith.constant 0 : i32
      %dma_start3A_144 = tpu.memref_slice %arg4[%select_n3A, %add3A_137, %dma_start3A_142, %dma_start3A_143] : memref<16x2048x4x128xf32, #tpu.memory_space<hbm>> -> memref<1x64x4x128xf32, #tpu.memory_space<hbm>>
      %dma_start3A_145 = tpu.memref_squeeze %dma_start3A_144 : memref<1x64x4x128xf32, #tpu.memory_space<hbm>> -> memref<64x4x128xf32, #tpu.memory_space<hbm>>
      tpu.enqueue_dma source(%arg5 : memref<64x4x128xf32, #tpu.memory_space<vmem>>) target(%dma_start3A_145 : memref<64x4x128xf32, #tpu.memory_space<hbm>>) target_semaphore(%arg11 : memref<!tpu.dma_semaphore, #tpu.memory_space<semaphore_mem>>)
      %add3A_146 = arith.constant 512 : i32
      %add3A_147 = arith.addi %mul3A_32, %add3A_146 : i32
      %dma_start3A_148 = arith.constant 0 : i32
      %dma_start3A_149 = arith.constant 0 : i32
      %dma_start3A_150 = tpu.memref_slice %arg4[%select_n3A, %add3A_147, %dma_start3A_148, %dma_start3A_149] : memref<16x2048x4x128xf32, #tpu.memory_space<hbm>> -> memref<1x64x4x128xf32, #tpu.memory_space<hbm>>
      %dma_start3A_151 = tpu.memref_squeeze %dma_start3A_150 : memref<1x64x4x128xf32, #tpu.memory_space<hbm>> -> memref<64x4x128xf32, #tpu.memory_space<hbm>>
      %dma_start3A_152 = arith.constant 0 : i32
      %dma_start3A_153 = arith.constant 0 : i32
      %dma_start3A_154 = tpu.memref_slice %arg4[%select_n3A, %add3A_147, %dma_start3A_152, %dma_start3A_153] : memref<16x2048x4x128xf32, #tpu.memory_space<hbm>> -> memref<1x64x4x128xf32, #tpu.memory_space<hbm>>
      %dma_start3A_155 = tpu.memref_squeeze %dma_start3A_154 : memref<1x64x4x128xf32, #tpu.memory_space<hbm>> -> memref<64x4x128xf32, #tpu.memory_space<hbm>>
      tpu.enqueue_dma source(%arg5 : memref<64x4x128xf32, #tpu.memory_space<vmem>>) target(%dma_start3A_155 : memref<64x4x128xf32, #tpu.memory_space<hbm>>) target_semaphore(%arg11 : memref<!tpu.dma_semaphore, #tpu.memory_space<semaphore_mem>>)
      %add3A_156 = arith.constant 576 : i32
      %add3A_157 = arith.addi %mul3A_32, %add3A_156 : i32
      %dma_start3A_158 = arith.constant 0 : i32
      %dma_start3A_159 = arith.constant 0 : i32
      %dma_start3A_160 = tpu.memref_slice %arg4[%select_n3A, %add3A_157, %dma_start3A_158, %dma_start3A_159] : memref<16x2048x4x128xf32, #tpu.memory_space<hbm>> -> memref<1x64x4x128xf32, #tpu.memory_space<hbm>>
      %dma_start3A_161 = tpu.memref_squeeze %dma_start3A_160 : memref<1x64x4x128xf32, #tpu.memory_space<hbm>> -> memref<64x4x128xf32, #tpu.memory_space<hbm>>
      %dma_start3A_162 = arith.constant 0 : i32
      %dma_start3A_163 = arith.constant 0 : i32
      %dma_start3A_164 = tpu.memref_slice %arg4[%select_n3A, %add3A_157, %dma_start3A_162, %dma_start3A_163] : memref<16x2048x4x128xf32, #tpu.memory_space<hbm>> -> memref<1x64x4x128xf32, #tpu.memory_space<hbm>>
      %dma_start3A_165 = tpu.memref_squeeze %dma_start3A_164 : memref<1x64x4x128xf32, #tpu.memory_space<hbm>> -> memref<64x4x128xf32, #tpu.memory_space<hbm>>
      tpu.enqueue_dma source(%arg5 : memref<64x4x128xf32, #tpu.memory_space<vmem>>) target(%dma_start3A_165 : memref<64x4x128xf32, #tpu.memory_space<hbm>>) target_semaphore(%arg11 : memref<!tpu.dma_semaphore, #tpu.memory_space<semaphore_mem>>)
      %add3A_166 = arith.constant 640 : i32
      %add3A_167 = arith.addi %mul3A_32, %add3A_166 : i32
      %dma_start3A_168 = arith.constant 0 : i32
      %dma_start3A_169 = arith.constant 0 : i32
      %dma_start3A_170 = tpu.memref_slice %arg4[%select_n3A, %add3A_167, %dma_start3A_168, %dma_start3A_169] : memref<16x2048x4x128xf32, #tpu.memory_space<hbm>> -> memref<1x64x4x128xf32, #tpu.memory_space<hbm>>
      %dma_start3A_171 = tpu.memref_squeeze %dma_start3A_170 : memref<1x64x4x128xf32, #tpu.memory_space<hbm>> -> memref<64x4x128xf32, #tpu.memory_space<hbm>>
      %dma_start3A_172 = arith.constant 0 : i32
      %dma_start3A_173 = arith.constant 0 : i32
      %dma_start3A_174 = tpu.memref_slice %arg4[%select_n3A, %add3A_167, %dma_start3A_172, %dma_start3A_173] : memref<16x2048x4x128xf32, #tpu.memory_space<hbm>> -> memref<1x64x4x128xf32, #tpu.memory_space<hbm>>
      %dma_start3A_175 = tpu.memref_squeeze %dma_start3A_174 : memref<1x64x4x128xf32, #tpu.memory_space<hbm>> -> memref<64x4x128xf32, #tpu.memory_space<hbm>>
      tpu.enqueue_dma source(%arg5 : memref<64x4x128xf32, #tpu.memory_space<vmem>>) target(%dma_start3A_175 : memref<64x4x128xf32, #tpu.memory_space<hbm>>) target_semaphore(%arg11 : memref<!tpu.dma_semaphore, #tpu.memory_space<semaphore_mem>>)
      %add3A_176 = arith.constant 704 : i32
      %add3A_177 = arith.addi %mul3A_32, %add3A_176 : i32
      %dma_start3A_178 = arith.constant 0 : i32
      %dma_start3A_179 = arith.constant 0 : i32
      %dma_start3A_180 = tpu.memref_slice %arg4[%select_n3A, %add3A_177, %dma_start3A_178, %dma_start3A_179] : memref<16x2048x4x128xf32, #tpu.memory_space<hbm>> -> memref<1x64x4x128xf32, #tpu.memory_space<hbm>>
      %dma_start3A_181 = tpu.memref_squeeze %dma_start3A_180 : memref<1x64x4x128xf32, #tpu.memory_space<hbm>> -> memref<64x4x128xf32, #tpu.memory_space<hbm>>
      %dma_start3A_182 = arith.constant 0 : i32
      %dma_start3A_183 = arith.constant 0 : i32
      %dma_start3A_184 = tpu.memref_slice %arg4[%select_n3A, %add3A_177, %dma_start3A_182, %dma_start3A_183] : memref<16x2048x4x128xf32, #tpu.memory_space<hbm>> -> memref<1x64x4x128xf32, #tpu.memory_space<hbm>>
      %dma_start3A_185 = tpu.memref_squeeze %dma_start3A_184 : memref<1x64x4x128xf32, #tpu.memory_space<hbm>> -> memref<64x4x128xf32, #tpu.memory_space<hbm>>
      tpu.enqueue_dma source(%arg5 : memref<64x4x128xf32, #tpu.memory_space<vmem>>) target(%dma_start3A_185 : memref<64x4x128xf32, #tpu.memory_space<hbm>>) target_semaphore(%arg11 : memref<!tpu.dma_semaphore, #tpu.memory_space<semaphore_mem>>)
      %add3A_186 = arith.constant 768 : i32
      %add3A_187 = arith.addi %mul3A_32, %add3A_186 : i32
      %dma_start3A_188 = arith.constant 0 : i32
      %dma_start3A_189 = arith.constant 0 : i32
      %dma_start3A_190 = tpu.memref_slice %arg4[%select_n3A, %add3A_187, %dma_start3A_188, %dma_start3A_189] : memref<16x2048x4x128xf32, #tpu.memory_space<hbm>> -> memref<1x64x4x128xf32, #tpu.memory_space<hbm>>
      %dma_start3A_191 = tpu.memref_squeeze %dma_start3A_190 : memref<1x64x4x128xf32, #tpu.memory_space<hbm>> -> memref<64x4x128xf32, #tpu.memory_space<hbm>>
      %dma_start3A_192 = arith.constant 0 : i32
      %dma_start3A_193 = arith.constant 0 : i32
      %dma_start3A_194 = tpu.memref_slice %arg4[%select_n3A, %add3A_187, %dma_start3A_192, %dma_start3A_193] : memref<16x2048x4x128xf32, #tpu.memory_space<hbm>> -> memref<1x64x4x128xf32, #tpu.memory_space<hbm>>
      %dma_start3A_195 = tpu.memref_squeeze %dma_start3A_194 : memref<1x64x4x128xf32, #tpu.memory_space<hbm>> -> memref<64x4x128xf32, #tpu.memory_space<hbm>>
      tpu.enqueue_dma source(%arg5 : memref<64x4x128xf32, #tpu.memory_space<vmem>>) target(%dma_start3A_195 : memref<64x4x128xf32, #tpu.memory_space<hbm>>) target_semaphore(%arg11 : memref<!tpu.dma_semaphore, #tpu.memory_space<semaphore_mem>>)
      %add3A_196 = arith.constant 832 : i32
      %add3A_197 = arith.addi %mul3A_32, %add3A_196 : i32
      %dma_start3A_198 = arith.constant 0 : i32
      %dma_start3A_199 = arith.constant 0 : i32
      %dma_start3A_200 = tpu.memref_slice %arg4[%select_n3A, %add3A_197, %dma_start3A_198, %dma_start3A_199] : memref<16x2048x4x128xf32, #tpu.memory_space<hbm>> -> memref<1x64x4x128xf32, #tpu.memory_space<hbm>>
      %dma_start3A_201 = tpu.memref_squeeze %dma_start3A_200 : memref<1x64x4x128xf32, #tpu.memory_space<hbm>> -> memref<64x4x128xf32, #tpu.memory_space<hbm>>
      %dma_start3A_202 = arith.constant 0 : i32
      %dma_start3A_203 = arith.constant 0 : i32
      %dma_start3A_204 = tpu.memref_slice %arg4[%select_n3A, %add3A_197, %dma_start3A_202, %dma_start3A_203] : memref<16x2048x4x128xf32, #tpu.memory_space<hbm>> -> memref<1x64x4x128xf32, #tpu.memory_space<hbm>>
      %dma_start3A_205 = tpu.memref_squeeze %dma_start3A_204 : memref<1x64x4x128xf32, #tpu.memory_space<hbm>> -> memref<64x4x128xf32, #tpu.memory_space<hbm>>
      tpu.enqueue_dma source(%arg5 : memref<64x4x128xf32, #tpu.memory_space<vmem>>) target(%dma_start3A_205 : memref<64x4x128xf32, #tpu.memory_space<hbm>>) target_semaphore(%arg11 : memref<!tpu.dma_semaphore, #tpu.memory_space<semaphore_mem>>)
      %add3A_206 = arith.constant 896 : i32
      %add3A_207 = arith.addi %mul3A_32, %add3A_206 : i32
      %dma_start3A_208 = arith.constant 0 : i32
      %dma_start3A_209 = arith.constant 0 : i32
      %dma_start3A_210 = tpu.memref_slice %arg4[%select_n3A, %add3A_207, %dma_start3A_208, %dma_start3A_209] : memref<16x2048x4x128xf32, #tpu.memory_space<hbm>> -> memref<1x64x4x128xf32, #tpu.memory_space<hbm>>
      %dma_start3A_211 = tpu.memref_squeeze %dma_start3A_210 : memref<1x64x4x128xf32, #tpu.memory_space<hbm>> -> memref<64x4x128xf32, #tpu.memory_space<hbm>>
      %dma_start3A_212 = arith.constant 0 : i32
      %dma_start3A_213 = arith.constant 0 : i32
      %dma_start3A_214 = tpu.memref_slice %arg4[%select_n3A, %add3A_207, %dma_start3A_212, %dma_start3A_213] : memref<16x2048x4x128xf32, #tpu.memory_space<hbm>> -> memref<1x64x4x128xf32, #tpu.memory_space<hbm>>
      %dma_start3A_215 = tpu.memref_squeeze %dma_start3A_214 : memref<1x64x4x128xf32, #tpu.memory_space<hbm>> -> memref<64x4x128xf32, #tpu.memory_space<hbm>>
      tpu.enqueue_dma source(%arg5 : memref<64x4x128xf32, #tpu.memory_space<vmem>>) target(%dma_start3A_215 : memref<64x4x128xf32, #tpu.memory_space<hbm>>) target_semaphore(%arg11 : memref<!tpu.dma_semaphore, #tpu.memory_space<semaphore_mem>>)
      %dma_wait3A_216 = arith.constant 0 : i32
      %dma_wait3A_217 = arith.constant 0 : i32
      %dma_wait3A_218 = tpu.memref_slice %arg4[%select_n3A, %add3A_67, %dma_wait3A_216, %dma_wait3A_217] : memref<16x2048x4x128xf32, #tpu.memory_space<hbm>> -> memref<1x64x4x128xf32, #tpu.memory_space<hbm>>
      %dma_wait3A_219 = tpu.memref_squeeze %dma_wait3A_218 : memref<1x64x4x128xf32, #tpu.memory_space<hbm>> -> memref<64x4x128xf32, #tpu.memory_space<hbm>>
      %dma_wait3A_220 = arith.constant 0 : i32
      %dma_wait3A_221 = arith.constant 0 : i32
      %dma_wait3A_222 = tpu.memref_slice %arg4[%select_n3A, %add3A_67, %dma_wait3A_220, %dma_wait3A_221] : memref<16x2048x4x128xf32, #tpu.memory_space<hbm>> -> memref<1x64x4x128xf32, #tpu.memory_space<hbm>>
      %dma_wait3A_223 = tpu.memref_squeeze %dma_wait3A_222 : memref<1x64x4x128xf32, #tpu.memory_space<hbm>> -> memref<64x4x128xf32, #tpu.memory_space<hbm>>
      tpu.wait_dma2 semaphore(%arg11 : memref<!tpu.dma_semaphore, #tpu.memory_space<semaphore_mem>>) src(%arg5 : memref<64x4x128xf32, #tpu.memory_space<vmem>>) dst(%dma_wait3A_223 : memref<64x4x128xf32, #tpu.memory_space<hbm>>)
      %dma_wait3A_224 = arith.constant 0 : i32
      %dma_wait3A_225 = arith.constant 0 : i32
      %dma_wait3A_226 = tpu.memref_slice %arg4[%select_n3A, %add3A_77, %dma_wait3A_224, %dma_wait3A_225] : memref<16x2048x4x128xf32, #tpu.memory_space<hbm>> -> memref<1x64x4x128xf32, #tpu.memory_space<hbm>>
      %dma_wait3A_227 = tpu.memref_squeeze %dma_wait3A_226 : memref<1x64x4x128xf32, #tpu.memory_space<hbm>> -> memref<64x4x128xf32, #tpu.memory_space<hbm>>
      %dma_wait3A_228 = arith.constant 0 : i32
      %dma_wait3A_229 = arith.constant 0 : i32
      %dma_wait3A_230 = tpu.memref_slice %arg4[%select_n3A, %add3A_77, %dma_wait3A_228, %dma_wait3A_229] : memref<16x2048x4x128xf32, #tpu.memory_space<hbm>> -> memref<1x64x4x128xf32, #tpu.memory_space<hbm>>
      %dma_wait3A_231 = tpu.memref_squeeze %dma_wait3A_230 : memref<1x64x4x128xf32, #tpu.memory_space<hbm>> -> memref<64x4x128xf32, #tpu.memory_space<hbm>>
      tpu.wait_dma2 semaphore(%arg11 : memref<!tpu.dma_semaphore, #tpu.memory_space<semaphore_mem>>) src(%arg5 : memref<64x4x128xf32, #tpu.memory_space<vmem>>) dst(%dma_wait3A_231 : memref<64x4x128xf32, #tpu.memory_space<hbm>>)
      %dma_wait3A_232 = arith.constant 0 : i32
      %dma_wait3A_233 = arith.constant 0 : i32
      %dma_wait3A_234 = tpu.memref_slice %arg4[%select_n3A, %add3A_87, %dma_wait3A_232, %dma_wait3A_233] : memref<16x2048x4x128xf32, #tpu.memory_space<hbm>> -> memref<1x64x4x128xf32, #tpu.memory_space<hbm>>
      %dma_wait3A_235 = tpu.memref_squeeze %dma_wait3A_234 : memref<1x64x4x128xf32, #tpu.memory_space<hbm>> -> memref<64x4x128xf32, #tpu.memory_space<hbm>>
      %dma_wait3A_236 = arith.constant 0 : i32
      %dma_wait3A_237 = arith.constant 0 : i32
      %dma_wait3A_238 = tpu.memref_slice %arg4[%select_n3A, %add3A_87, %dma_wait3A_236, %dma_wait3A_237] : memref<16x2048x4x128xf32, #tpu.memory_space<hbm>> -> memref<1x64x4x128xf32, #tpu.memory_space<hbm>>
      %dma_wait3A_239 = tpu.memref_squeeze %dma_wait3A_238 : memref<1x64x4x128xf32, #tpu.memory_space<hbm>> -> memref<64x4x128xf32, #tpu.memory_space<hbm>>
      tpu.wait_dma2 semaphore(%arg11 : memref<!tpu.dma_semaphore, #tpu.memory_space<semaphore_mem>>) src(%arg5 : memref<64x4x128xf32, #tpu.memory_space<vmem>>) dst(%dma_wait3A_239 : memref<64x4x128xf32, #tpu.memory_space<hbm>>)
      %dma_wait3A_240 = arith.constant 0 : i32
      %dma_wait3A_241 = arith.constant 0 : i32
      %dma_wait3A_242 = tpu.memref_slice %arg4[%select_n3A, %add3A_97, %dma_wait3A_240, %dma_wait3A_241] : memref<16x2048x4x128xf32, #tpu.memory_space<hbm>> -> memref<1x64x4x128xf32, #tpu.memory_space<hbm>>
      %dma_wait3A_243 = tpu.memref_squeeze %dma_wait3A_242 : memref<1x64x4x128xf32, #tpu.memory_space<hbm>> -> memref<64x4x128xf32, #tpu.memory_space<hbm>>
      %dma_wait3A_244 = arith.constant 0 : i32
      %dma_wait3A_245 = arith.constant 0 : i32
      %dma_wait3A_246 = tpu.memref_slice %arg4[%select_n3A, %add3A_97, %dma_wait3A_244, %dma_wait3A_245] : memref<16x2048x4x128xf32, #tpu.memory_space<hbm>> -> memref<1x64x4x128xf32, #tpu.memory_space<hbm>>
      %dma_wait3A_247 = tpu.memref_squeeze %dma_wait3A_246 : memref<1x64x4x128xf32, #tpu.memory_space<hbm>> -> memref<64x4x128xf32, #tpu.memory_space<hbm>>
      tpu.wait_dma2 semaphore(%arg11 : memref<!tpu.dma_semaphore, #tpu.memory_space<semaphore_mem>>) src(%arg5 : memref<64x4x128xf32, #tpu.memory_space<vmem>>) dst(%dma_wait3A_247 : memref<64x4x128xf32, #tpu.memory_space<hbm>>)
      %dma_wait3A_248 = arith.constant 0 : i32
      %dma_wait3A_249 = arith.constant 0 : i32
      %dma_wait3A_250 = tpu.memref_slice %arg4[%select_n3A, %add3A_107, %dma_wait3A_248, %dma_wait3A_249] : memref<16x2048x4x128xf32, #tpu.memory_space<hbm>> -> memref<1x64x4x128xf32, #tpu.memory_space<hbm>>
      %dma_wait3A_251 = tpu.memref_squeeze %dma_wait3A_250 : memref<1x64x4x128xf32, #tpu.memory_space<hbm>> -> memref<64x4x128xf32, #tpu.memory_space<hbm>>
      %dma_wait3A_252 = arith.constant 0 : i32
      %dma_wait3A_253 = arith.constant 0 : i32
      %dma_wait3A_254 = tpu.memref_slice %arg4[%select_n3A, %add3A_107, %dma_wait3A_252, %dma_wait3A_253] : memref<16x2048x4x128xf32, #tpu.memory_space<hbm>> -> memref<1x64x4x128xf32, #tpu.memory_space<hbm>>
      %dma_wait3A_255 = tpu.memref_squeeze %dma_wait3A_254 : memref<1x64x4x128xf32, #tpu.memory_space<hbm>> -> memref<64x4x128xf32, #tpu.memory_space<hbm>>
      tpu.wait_dma2 semaphore(%arg11 : memref<!tpu.dma_semaphore, #tpu.memory_space<semaphore_mem>>) src(%arg5 : memref<64x4x128xf32, #tpu.memory_space<vmem>>) dst(%dma_wait3A_255 : memref<64x4x128xf32, #tpu.memory_space<hbm>>)
      %dma_wait3A_256 = arith.constant 0 : i32
      %dma_wait3A_257 = arith.constant 0 : i32
      %dma_wait3A_258 = tpu.memref_slice %arg4[%select_n3A, %add3A_117, %dma_wait3A_256, %dma_wait3A_257] : memref<16x2048x4x128xf32, #tpu.memory_space<hbm>> -> memref<1x64x4x128xf32, #tpu.memory_space<hbm>>
      %dma_wait3A_259 = tpu.memref_squeeze %dma_wait3A_258 : memref<1x64x4x128xf32, #tpu.memory_space<hbm>> -> memref<64x4x128xf32, #tpu.memory_space<hbm>>
      %dma_wait3A_260 = arith.constant 0 : i32
      %dma_wait3A_261 = arith.constant 0 : i32
      %dma_wait3A_262 = tpu.memref_slice %arg4[%select_n3A, %add3A_117, %dma_wait3A_260, %dma_wait3A_261] : memref<16x2048x4x128xf32, #tpu.memory_space<hbm>> -> memref<1x64x4x128xf32, #tpu.memory_space<hbm>>
      %dma_wait3A_263 = tpu.memref_squeeze %dma_wait3A_262 : memref<1x64x4x128xf32, #tpu.memory_space<hbm>> -> memref<64x4x128xf32, #tpu.memory_space<hbm>>
      tpu.wait_dma2 semaphore(%arg11 : memref<!tpu.dma_semaphore, #tpu.memory_space<semaphore_mem>>) src(%arg5 : memref<64x4x128xf32, #tpu.memory_space<vmem>>) dst(%dma_wait3A_263 : memref<64x4x128xf32, #tpu.memory_space<hbm>>)
      %dma_wait3A_264 = arith.constant 0 : i32
      %dma_wait3A_265 = arith.constant 0 : i32
      %dma_wait3A_266 = tpu.memref_slice %arg4[%select_n3A, %add3A_127, %dma_wait3A_264, %dma_wait3A_265] : memref<16x2048x4x128xf32, #tpu.memory_space<hbm>> -> memref<1x64x4x128xf32, #tpu.memory_space<hbm>>
      %dma_wait3A_267 = tpu.memref_squeeze %dma_wait3A_266 : memref<1x64x4x128xf32, #tpu.memory_space<hbm>> -> memref<64x4x128xf32, #tpu.memory_space<hbm>>
      %dma_wait3A_268 = arith.constant 0 : i32
      %dma_wait3A_269 = arith.constant 0 : i32
      %dma_wait3A_270 = tpu.memref_slice %arg4[%select_n3A, %add3A_127, %dma_wait3A_268, %dma_wait3A_269] : memref<16x2048x4x128xf32, #tpu.memory_space<hbm>> -> memref<1x64x4x128xf32, #tpu.memory_space<hbm>>
      %dma_wait3A_271 = tpu.memref_squeeze %dma_wait3A_270 : memref<1x64x4x128xf32, #tpu.memory_space<hbm>> -> memref<64x4x128xf32, #tpu.memory_space<hbm>>
      tpu.wait_dma2 semaphore(%arg11 : memref<!tpu.dma_semaphore, #tpu.memory_space<semaphore_mem>>) src(%arg5 : memref<64x4x128xf32, #tpu.memory_space<vmem>>) dst(%dma_wait3A_271 : memref<64x4x128xf32, #tpu.memory_space<hbm>>)
      %dma_wait3A_272 = arith.constant 0 : i32
      %dma_wait3A_273 = arith.constant 0 : i32
      %dma_wait3A_274 = tpu.memref_slice %arg4[%select_n3A, %add3A_137, %dma_wait3A_272, %dma_wait3A_273] : memref<16x2048x4x128xf32, #tpu.memory_space<hbm>> -> memref<1x64x4x128xf32, #tpu.memory_space<hbm>>
      %dma_wait3A_275 = tpu.memref_squeeze %dma_wait3A_274 : memref<1x64x4x128xf32, #tpu.memory_space<hbm>> -> memref<64x4x128xf32, #tpu.memory_space<hbm>>
      %dma_wait3A_276 = arith.constant 0 : i32
      %dma_wait3A_277 = arith.constant 0 : i32
      %dma_wait3A_278 = tpu.memref_slice %arg4[%select_n3A, %add3A_137, %dma_wait3A_276, %dma_wait3A_277] : memref<16x2048x4x128xf32, #tpu.memory_space<hbm>> -> memref<1x64x4x128xf32, #tpu.memory_space<hbm>>
      %dma_wait3A_279 = tpu.memref_squeeze %dma_wait3A_278 : memref<1x64x4x128xf32, #tpu.memory_space<hbm>> -> memref<64x4x128xf32, #tpu.memory_space<hbm>>
      tpu.wait_dma2 semaphore(%arg11 : memref<!tpu.dma_semaphore, #tpu.memory_space<semaphore_mem>>) src(%arg5 : memref<64x4x128xf32, #tpu.memory_space<vmem>>) dst(%dma_wait3A_279 : memref<64x4x128xf32, #tpu.memory_space<hbm>>)
      %dma_wait3A_280 = arith.constant 0 : i32
      %dma_wait3A_281 = arith.constant 0 : i32
      %dma_wait3A_282 = tpu.memref_slice %arg4[%select_n3A, %add3A_147, %dma_wait3A_280, %dma_wait3A_281] : memref<16x2048x4x128xf32, #tpu.memory_space<hbm>> -> memref<1x64x4x128xf32, #tpu.memory_space<hbm>>
      %dma_wait3A_283 = tpu.memref_squeeze %dma_wait3A_282 : memref<1x64x4x128xf32, #tpu.memory_space<hbm>> -> memref<64x4x128xf32, #tpu.memory_space<hbm>>
      %dma_wait3A_284 = arith.constant 0 : i32
      %dma_wait3A_285 = arith.constant 0 : i32
      %dma_wait3A_286 = tpu.memref_slice %arg4[%select_n3A, %add3A_147, %dma_wait3A_284, %dma_wait3A_285] : memref<16x2048x4x128xf32, #tpu.memory_space<hbm>> -> memref<1x64x4x128xf32, #tpu.memory_space<hbm>>
      %dma_wait3A_287 = tpu.memref_squeeze %dma_wait3A_286 : memref<1x64x4x128xf32, #tpu.memory_space<hbm>> -> memref<64x4x128xf32, #tpu.memory_space<hbm>>
      tpu.wait_dma2 semaphore(%arg11 : memref<!tpu.dma_semaphore, #tpu.memory_space<semaphore_mem>>) src(%arg5 : memref<64x4x128xf32, #tpu.memory_space<vmem>>) dst(%dma_wait3A_287 : memref<64x4x128xf32, #tpu.memory_space<hbm>>)
      %dma_wait3A_288 = arith.constant 0 : i32
      %dma_wait3A_289 = arith.constant 0 : i32
      %dma_wait3A_290 = tpu.memref_slice %arg4[%select_n3A, %add3A_157, %dma_wait3A_288, %dma_wait3A_289] : memref<16x2048x4x128xf32, #tpu.memory_space<hbm>> -> memref<1x64x4x128xf32, #tpu.memory_space<hbm>>
      %dma_wait3A_291 = tpu.memref_squeeze %dma_wait3A_290 : memref<1x64x4x128xf32, #tpu.memory_space<hbm>> -> memref<64x4x128xf32, #tpu.memory_space<hbm>>
      %dma_wait3A_292 = arith.constant 0 : i32
      %dma_wait3A_293 = arith.constant 0 : i32
      %dma_wait3A_294 = tpu.memref_slice %arg4[%select_n3A, %add3A_157, %dma_wait3A_292, %dma_wait3A_293] : memref<16x2048x4x128xf32, #tpu.memory_space<hbm>> -> memref<1x64x4x128xf32, #tpu.memory_space<hbm>>
      %dma_wait3A_295 = tpu.memref_squeeze %dma_wait3A_294 : memref<1x64x4x128xf32, #tpu.memory_space<hbm>> -> memref<64x4x128xf32, #tpu.memory_space<hbm>>
      tpu.wait_dma2 semaphore(%arg11 : memref<!tpu.dma_semaphore, #tpu.memory_space<semaphore_mem>>) src(%arg5 : memref<64x4x128xf32, #tpu.memory_space<vmem>>) dst(%dma_wait3A_295 : memref<64x4x128xf32, #tpu.memory_space<hbm>>)
      %dma_wait3A_296 = arith.constant 0 : i32
      %dma_wait3A_297 = arith.constant 0 : i32
      %dma_wait3A_298 = tpu.memref_slice %arg4[%select_n3A, %add3A_167, %dma_wait3A_296, %dma_wait3A_297] : memref<16x2048x4x128xf32, #tpu.memory_space<hbm>> -> memref<1x64x4x128xf32, #tpu.memory_space<hbm>>
      %dma_wait3A_299 = tpu.memref_squeeze %dma_wait3A_298 : memref<1x64x4x128xf32, #tpu.memory_space<hbm>> -> memref<64x4x128xf32, #tpu.memory_space<hbm>>
      %dma_wait3A_300 = arith.constant 0 : i32
      %dma_wait3A_301 = arith.constant 0 : i32
      %dma_wait3A_302 = tpu.memref_slice %arg4[%select_n3A, %add3A_167, %dma_wait3A_300, %dma_wait3A_301] : memref<16x2048x4x128xf32, #tpu.memory_space<hbm>> -> memref<1x64x4x128xf32, #tpu.memory_space<hbm>>
      %dma_wait3A_303 = tpu.memref_squeeze %dma_wait3A_302 : memref<1x64x4x128xf32, #tpu.memory_space<hbm>> -> memref<64x4x128xf32, #tpu.memory_space<hbm>>
      tpu.wait_dma2 semaphore(%arg11 : memref<!tpu.dma_semaphore, #tpu.memory_space<semaphore_mem>>) src(%arg5 : memref<64x4x128xf32, #tpu.memory_space<vmem>>) dst(%dma_wait3A_303 : memref<64x4x128xf32, #tpu.memory_space<hbm>>)
      %dma_wait3A_304 = arith.constant 0 : i32
      %dma_wait3A_305 = arith.constant 0 : i32
      %dma_wait3A_306 = tpu.memref_slice %arg4[%select_n3A, %add3A_177, %dma_wait3A_304, %dma_wait3A_305] : memref<16x2048x4x128xf32, #tpu.memory_space<hbm>> -> memref<1x64x4x128xf32, #tpu.memory_space<hbm>>
      %dma_wait3A_307 = tpu.memref_squeeze %dma_wait3A_306 : memref<1x64x4x128xf32, #tpu.memory_space<hbm>> -> memref<64x4x128xf32, #tpu.memory_space<hbm>>
      %dma_wait3A_308 = arith.constant 0 : i32
      %dma_wait3A_309 = arith.constant 0 : i32
      %dma_wait3A_310 = tpu.memref_slice %arg4[%select_n3A, %add3A_177, %dma_wait3A_308, %dma_wait3A_309] : memref<16x2048x4x128xf32, #tpu.memory_space<hbm>> -> memref<1x64x4x128xf32, #tpu.memory_space<hbm>>
      %dma_wait3A_311 = tpu.memref_squeeze %dma_wait3A_310 : memref<1x64x4x128xf32, #tpu.memory_space<hbm>> -> memref<64x4x128xf32, #tpu.memory_space<hbm>>
      tpu.wait_dma2 semaphore(%arg11 : memref<!tpu.dma_semaphore, #tpu.memory_space<semaphore_mem>>) src(%arg5 : memref<64x4x128xf32, #tpu.memory_space<vmem>>) dst(%dma_wait3A_311 : memref<64x4x128xf32, #tpu.memory_space<hbm>>)
      %dma_wait3A_312 = arith.constant 0 : i32
      %dma_wait3A_313 = arith.constant 0 : i32
      %dma_wait3A_314 = tpu.memref_slice %arg4[%select_n3A, %add3A_187, %dma_wait3A_312, %dma_wait3A_313] : memref<16x2048x4x128xf32, #tpu.memory_space<hbm>> -> memref<1x64x4x128xf32, #tpu.memory_space<hbm>>
      %dma_wait3A_315 = tpu.memref_squeeze %dma_wait3A_314 : memref<1x64x4x128xf32, #tpu.memory_space<hbm>> -> memref<64x4x128xf32, #tpu.memory_space<hbm>>
      %dma_wait3A_316 = arith.constant 0 : i32
      %dma_wait3A_317 = arith.constant 0 : i32
      %dma_wait3A_318 = tpu.memref_slice %arg4[%select_n3A, %add3A_187, %dma_wait3A_316, %dma_wait3A_317] : memref<16x2048x4x128xf32, #tpu.memory_space<hbm>> -> memref<1x64x4x128xf32, #tpu.memory_space<hbm>>
      %dma_wait3A_319 = tpu.memref_squeeze %dma_wait3A_318 : memref<1x64x4x128xf32, #tpu.memory_space<hbm>> -> memref<64x4x128xf32, #tpu.memory_space<hbm>>
      tpu.wait_dma2 semaphore(%arg11 : memref<!tpu.dma_semaphore, #tpu.memory_space<semaphore_mem>>) src(%arg5 : memref<64x4x128xf32, #tpu.memory_space<vmem>>) dst(%dma_wait3A_319 : memref<64x4x128xf32, #tpu.memory_space<hbm>>)
      %dma_wait3A_320 = arith.constant 0 : i32
      %dma_wait3A_321 = arith.constant 0 : i32
      %dma_wait3A_322 = tpu.memref_slice %arg4[%select_n3A, %add3A_197, %dma_wait3A_320, %dma_wait3A_321] : memref<16x2048x4x128xf32, #tpu.memory_space<hbm>> -> memref<1x64x4x128xf32, #tpu.memory_space<hbm>>
      %dma_wait3A_323 = tpu.memref_squeeze %dma_wait3A_322 : memref<1x64x4x128xf32, #tpu.memory_space<hbm>> -> memref<64x4x128xf32, #tpu.memory_space<hbm>>
      %dma_wait3A_324 = arith.constant 0 : i32
      %dma_wait3A_325 = arith.constant 0 : i32
      %dma_wait3A_326 = tpu.memref_slice %arg4[%select_n3A, %add3A_197, %dma_wait3A_324, %dma_wait3A_325] : memref<16x2048x4x128xf32, #tpu.memory_space<hbm>> -> memref<1x64x4x128xf32, #tpu.memory_space<hbm>>
      %dma_wait3A_327 = tpu.memref_squeeze %dma_wait3A_326 : memref<1x64x4x128xf32, #tpu.memory_space<hbm>> -> memref<64x4x128xf32, #tpu.memory_space<hbm>>
      tpu.wait_dma2 semaphore(%arg11 : memref<!tpu.dma_semaphore, #tpu.memory_space<semaphore_mem>>) src(%arg5 : memref<64x4x128xf32, #tpu.memory_space<vmem>>) dst(%dma_wait3A_327 : memref<64x4x128xf32, #tpu.memory_space<hbm>>)
      %dma_wait3A_328 = arith.constant 0 : i32
      %dma_wait3A_329 = arith.constant 0 : i32
      %dma_wait3A_330 = tpu.memref_slice %arg4[%select_n3A, %add3A_207, %dma_wait3A_328, %dma_wait3A_329] : memref<16x2048x4x128xf32, #tpu.memory_space<hbm>> -> memref<1x64x4x128xf32, #tpu.memory_space<hbm>>
      %dma_wait3A_331 = tpu.memref_squeeze %dma_wait3A_330 : memref<1x64x4x128xf32, #tpu.memory_space<hbm>> -> memref<64x4x128xf32, #tpu.memory_space<hbm>>
      %dma_wait3A_332 = arith.constant 0 : i32
      %dma_wait3A_333 = arith.constant 0 : i32
      %dma_wait3A_334 = tpu.memref_slice %arg4[%select_n3A, %add3A_207, %dma_wait3A_332, %dma_wait3A_333] : memref<16x2048x4x128xf32, #tpu.memory_space<hbm>> -> memref<1x64x4x128xf32, #tpu.memory_space<hbm>>
      %dma_wait3A_335 = tpu.memref_squeeze %dma_wait3A_334 : memref<1x64x4x128xf32, #tpu.memory_space<hbm>> -> memref<64x4x128xf32, #tpu.memory_space<hbm>>
      tpu.wait_dma2 semaphore(%arg11 : memref<!tpu.dma_semaphore, #tpu.memory_space<semaphore_mem>>) src(%arg5 : memref<64x4x128xf32, #tpu.memory_space<vmem>>) dst(%dma_wait3A_335 : memref<64x4x128xf32, #tpu.memory_space<hbm>>)
      %not3A_336 = arith.constant true
      %not3A_337 = arith.xori %eq3A_46, %not3A_336 : i1
      %convert_element_type3A_338 = arith.extui %not3A_337 : i1 to i32
      %cond3A_339 = arith.constant 0 : i32
      %cond3A_340 = arith.cmpi ne, %convert_element_type3A_338, %cond3A_339 : i32
      scf.if %cond3A_340 {
        %add3A_344 = arith.constant 960 : i32
        %add3A_345 = arith.addi %mul3A_32, %add3A_344 : i32
        %dma_start3A_346 = arith.constant 0 : i32
        %dma_start3A_347 = arith.constant 0 : i32
        %dma_start3A_348 = tpu.memref_slice %arg4[%select_n3A, %add3A_345, %dma_start3A_346, %dma_start3A_347] : memref<16x2048x4x128xf32, #tpu.memory_space<hbm>> -> memref<1x64x4x128xf32, #tpu.memory_space<hbm>>
        %dma_start3A_349 = tpu.memref_squeeze %dma_start3A_348 : memref<1x64x4x128xf32, #tpu.memory_space<hbm>> -> memref<64x4x128xf32, #tpu.memory_space<hbm>>
        %dma_start3A_350 = arith.constant 0 : i32
        %dma_start3A_351 = arith.constant 0 : i32
        %dma_start3A_352 = tpu.memref_slice %arg4[%select_n3A, %add3A_345, %dma_start3A_350, %dma_start3A_351] : memref<16x2048x4x128xf32, #tpu.memory_space<hbm>> -> memref<1x64x4x128xf32, #tpu.memory_space<hbm>>
        %dma_start3A_353 = tpu.memref_squeeze %dma_start3A_352 : memref<1x64x4x128xf32, #tpu.memory_space<hbm>> -> memref<64x4x128xf32, #tpu.memory_space<hbm>>
        tpu.enqueue_dma source(%arg5 : memref<64x4x128xf32, #tpu.memory_space<vmem>>) target(%dma_start3A_353 : memref<64x4x128xf32, #tpu.memory_space<hbm>>) target_semaphore(%arg11 : memref<!tpu.dma_semaphore, #tpu.memory_space<semaphore_mem>>)
        %dma_wait3A_354 = arith.constant 0 : i32
        %dma_wait3A_355 = arith.constant 0 : i32
        %dma_wait3A_356 = tpu.memref_slice %arg4[%select_n3A, %add3A_345, %dma_wait3A_354, %dma_wait3A_355] : memref<16x2048x4x128xf32, #tpu.memory_space<hbm>> -> memref<1x64x4x128xf32, #tpu.memory_space<hbm>>
        %dma_wait3A_357 = tpu.memref_squeeze %dma_wait3A_356 : memref<1x64x4x128xf32, #tpu.memory_space<hbm>> -> memref<64x4x128xf32, #tpu.memory_space<hbm>>
        %dma_wait3A_358 = arith.constant 0 : i32
        %dma_wait3A_359 = arith.constant 0 : i32
        %dma_wait3A_360 = tpu.memref_slice %arg4[%select_n3A, %add3A_345, %dma_wait3A_358, %dma_wait3A_359] : memref<16x2048x4x128xf32, #tpu.memory_space<hbm>> -> memref<1x64x4x128xf32, #tpu.memory_space<hbm>>
        %dma_wait3A_361 = tpu.memref_squeeze %dma_wait3A_360 : memref<1x64x4x128xf32, #tpu.memory_space<hbm>> -> memref<64x4x128xf32, #tpu.memory_space<hbm>>
        tpu.wait_dma2 semaphore(%arg11 : memref<!tpu.dma_semaphore, #tpu.memory_space<semaphore_mem>>) src(%arg5 : memref<64x4x128xf32, #tpu.memory_space<vmem>>) dst(%dma_wait3A_361 : memref<64x4x128xf32, #tpu.memory_space<hbm>>)
      } else {
      }
      %convert_element_type3A_341 = arith.extui %eq3A_46 : i1 to i32
      %cond3A_342 = arith.constant 0 : i32
      %cond3A_343 = arith.cmpi ne, %convert_element_type3A_341, %cond3A_342 : i32
      scf.if %cond3A_343 {
        %add3A_344 = arith.constant 960 : i32
        %add3A_345 = arith.addi %mul3A_32, %add3A_344 : i32
        %dma_start3A_346 = arith.constant 0 : i32
        %dma_start3A_347 = arith.constant 0 : i32
        %dma_start3A_348 = arith.constant 0 : i32
        %dma_start3A_349 = tpu.memref_slice %arg5[%dma_start3A_346, %dma_start3A_347, %dma_start3A_348] : memref<64x4x128xf32, #tpu.memory_space<vmem>> -> memref<63x4x128xf32, #tpu.memory_space<vmem>>
        %dma_start3A_350 = arith.constant 0 : i32
        %dma_start3A_351 = arith.constant 0 : i32
        %dma_start3A_352 = tpu.memref_slice %arg4[%select_n3A, %add3A_345, %dma_start3A_350, %dma_start3A_351] : memref<16x2048x4x128xf32, #tpu.memory_space<hbm>> -> memref<1x63x4x128xf32, #tpu.memory_space<hbm>>
        %dma_start3A_353 = tpu.memref_squeeze %dma_start3A_352 : memref<1x63x4x128xf32, #tpu.memory_space<hbm>> -> memref<63x4x128xf32, #tpu.memory_space<hbm>>
        %dma_start3A_354 = arith.constant 0 : i32
        %dma_start3A_355 = arith.constant 0 : i32
        %dma_start3A_356 = tpu.memref_slice %arg4[%select_n3A, %add3A_345, %dma_start3A_354, %dma_start3A_355] : memref<16x2048x4x128xf32, #tpu.memory_space<hbm>> -> memref<1x63x4x128xf32, #tpu.memory_space<hbm>>
        %dma_start3A_357 = tpu.memref_squeeze %dma_start3A_356 : memref<1x63x4x128xf32, #tpu.memory_space<hbm>> -> memref<63x4x128xf32, #tpu.memory_space<hbm>>
        %dma_start3A_358 = arith.constant 0 : i32
        %dma_start3A_359 = arith.constant 0 : i32
        %dma_start3A_360 = arith.constant 0 : i32
        %dma_start3A_361 = tpu.memref_slice %arg5[%dma_start3A_358, %dma_start3A_359, %dma_start3A_360] : memref<64x4x128xf32, #tpu.memory_space<vmem>> -> memref<63x4x128xf32, #tpu.memory_space<vmem>>
        tpu.enqueue_dma source(%dma_start3A_361 : memref<63x4x128xf32, #tpu.memory_space<vmem>>) target(%dma_start3A_357 : memref<63x4x128xf32, #tpu.memory_space<hbm>>) target_semaphore(%arg11 : memref<!tpu.dma_semaphore, #tpu.memory_space<semaphore_mem>>)
        %dma_wait3A_362 = arith.constant 0 : i32
        %dma_wait3A_363 = arith.constant 0 : i32
        %dma_wait3A_364 = arith.constant 0 : i32
        %dma_wait3A_365 = tpu.memref_slice %arg5[%dma_wait3A_362, %dma_wait3A_363, %dma_wait3A_364] : memref<64x4x128xf32, #tpu.memory_space<vmem>> -> memref<63x4x128xf32, #tpu.memory_space<vmem>>
        %dma_wait3A_366 = arith.constant 0 : i32
        %dma_wait3A_367 = arith.constant 0 : i32
        %dma_wait3A_368 = tpu.memref_slice %arg4[%select_n3A, %add3A_345, %dma_wait3A_366, %dma_wait3A_367] : memref<16x2048x4x128xf32, #tpu.memory_space<hbm>> -> memref<1x63x4x128xf32, #tpu.memory_space<hbm>>
        %dma_wait3A_369 = tpu.memref_squeeze %dma_wait3A_368 : memref<1x63x4x128xf32, #tpu.memory_space<hbm>> -> memref<63x4x128xf32, #tpu.memory_space<hbm>>
        %dma_wait3A_370 = arith.constant 0 : i32
        %dma_wait3A_371 = arith.constant 0 : i32
        %dma_wait3A_372 = tpu.memref_slice %arg4[%select_n3A, %add3A_345, %dma_wait3A_370, %dma_wait3A_371] : memref<16x2048x4x128xf32, #tpu.memory_space<hbm>> -> memref<1x63x4x128xf32, #tpu.memory_space<hbm>>
        %dma_wait3A_373 = tpu.memref_squeeze %dma_wait3A_372 : memref<1x63x4x128xf32, #tpu.memory_space<hbm>> -> memref<63x4x128xf32, #tpu.memory_space<hbm>>
        %dma_wait3A_374 = arith.constant 0 : i32
        %dma_wait3A_375 = arith.constant 0 : i32
        %dma_wait3A_376 = arith.constant 0 : i32
        %dma_wait3A_377 = tpu.memref_slice %arg5[%dma_wait3A_374, %dma_wait3A_375, %dma_wait3A_376] : memref<64x4x128xf32, #tpu.memory_space<vmem>> -> memref<63x4x128xf32, #tpu.memory_space<vmem>>
        tpu.wait_dma2 semaphore(%arg11 : memref<!tpu.dma_semaphore, #tpu.memory_space<semaphore_mem>>) src(%dma_wait3A_377 : memref<63x4x128xf32, #tpu.memory_space<vmem>>) dst(%dma_wait3A_373 : memref<63x4x128xf32, #tpu.memory_space<hbm>>)
        %dma_start3A_378 = arith.constant 0 : i32
        %dma_start3A_379 = arith.constant 0 : i32
        %dma_start3A_380 = arith.constant 0 : i32
        %dma_start3A_381 = tpu.memref_slice %arg6[%dma_start3A_378, %dma_start3A_379, %dma_start3A_380] : memref<64x4x128xf32, #tpu.memory_space<vmem>> -> memref<1x4x128xf32, #tpu.memory_space<vmem>>
        %dma_start3A_382 = arith.constant 2047 : i32
        %dma_start3A_383 = arith.constant 0 : i32
        %dma_start3A_384 = arith.constant 0 : i32
        %dma_start3A_385 = tpu.memref_slice %arg2[%select_n3A, %dma_start3A_382, %dma_start3A_383, %dma_start3A_384] : memref<16x2048x4x128xf32, #tpu.memory_space<hbm>> -> memref<1x1x4x128xf32, #tpu.memory_space<hbm>>
        %dma_start3A_386 = tpu.memref_squeeze %dma_start3A_385 : memref<1x1x4x128xf32, #tpu.memory_space<hbm>> -> memref<1x4x128xf32, #tpu.memory_space<hbm>>
        %dma_start3A_387 = arith.constant 0 : i32
        %dma_start3A_388 = arith.constant 0 : i32
        %dma_start3A_389 = arith.constant 0 : i32
        %dma_start3A_390 = tpu.memref_slice %arg6[%dma_start3A_387, %dma_start3A_388, %dma_start3A_389] : memref<64x4x128xf32, #tpu.memory_space<vmem>> -> memref<1x4x128xf32, #tpu.memory_space<vmem>>
        %dma_start3A_391 = arith.constant 2047 : i32
        %dma_start3A_392 = arith.constant 0 : i32
        %dma_start3A_393 = arith.constant 0 : i32
        %dma_start3A_394 = tpu.memref_slice %arg2[%select_n3A, %dma_start3A_391, %dma_start3A_392, %dma_start3A_393] : memref<16x2048x4x128xf32, #tpu.memory_space<hbm>> -> memref<1x1x4x128xf32, #tpu.memory_space<hbm>>
        %dma_start3A_395 = tpu.memref_squeeze %dma_start3A_394 : memref<1x1x4x128xf32, #tpu.memory_space<hbm>> -> memref<1x4x128xf32, #tpu.memory_space<hbm>>
        tpu.enqueue_dma source(%dma_start3A_395 : memref<1x4x128xf32, #tpu.memory_space<hbm>>) target(%dma_start3A_390 : memref<1x4x128xf32, #tpu.memory_space<vmem>>) target_semaphore(%arg9 : memref<!tpu.dma_semaphore, #tpu.memory_space<semaphore_mem>>)
        %dma_wait3A_396 = arith.constant 0 : i32
        %dma_wait3A_397 = arith.constant 0 : i32
        %dma_wait3A_398 = arith.constant 0 : i32
        %dma_wait3A_399 = tpu.memref_slice %arg6[%dma_wait3A_396, %dma_wait3A_397, %dma_wait3A_398] : memref<64x4x128xf32, #tpu.memory_space<vmem>> -> memref<1x4x128xf32, #tpu.memory_space<vmem>>
        %dma_wait3A_400 = arith.constant 2047 : i32
        %dma_wait3A_401 = arith.constant 0 : i32
        %dma_wait3A_402 = arith.constant 0 : i32
        %dma_wait3A_403 = tpu.memref_slice %arg2[%select_n3A, %dma_wait3A_400, %dma_wait3A_401, %dma_wait3A_402] : memref<16x2048x4x128xf32, #tpu.memory_space<hbm>> -> memref<1x1x4x128xf32, #tpu.memory_space<hbm>>
        %dma_wait3A_404 = tpu.memref_squeeze %dma_wait3A_403 : memref<1x1x4x128xf32, #tpu.memory_space<hbm>> -> memref<1x4x128xf32, #tpu.memory_space<hbm>>
        %dma_wait3A_405 = arith.constant 0 : i32
        %dma_wait3A_406 = arith.constant 0 : i32
        %dma_wait3A_407 = arith.constant 0 : i32
        %dma_wait3A_408 = tpu.memref_slice %arg6[%dma_wait3A_405, %dma_wait3A_406, %dma_wait3A_407] : memref<64x4x128xf32, #tpu.memory_space<vmem>> -> memref<1x4x128xf32, #tpu.memory_space<vmem>>
        %dma_wait3A_409 = arith.constant 2047 : i32
        %dma_wait3A_410 = arith.constant 0 : i32
        %dma_wait3A_411 = arith.constant 0 : i32
        %dma_wait3A_412 = tpu.memref_slice %arg2[%select_n3A, %dma_wait3A_409, %dma_wait3A_410, %dma_wait3A_411] : memref<16x2048x4x128xf32, #tpu.memory_space<hbm>> -> memref<1x1x4x128xf32, #tpu.memory_space<hbm>>
        %dma_wait3A_413 = tpu.memref_squeeze %dma_wait3A_412 : memref<1x1x4x128xf32, #tpu.memory_space<hbm>> -> memref<1x4x128xf32, #tpu.memory_space<hbm>>
        tpu.wait_dma2 semaphore(%arg9 : memref<!tpu.dma_semaphore, #tpu.memory_space<semaphore_mem>>) src(%dma_wait3A_413 : memref<1x4x128xf32, #tpu.memory_space<hbm>>) dst(%dma_wait3A_408 : memref<1x4x128xf32, #tpu.memory_space<vmem>>)
        %dma_start3A_414 = arith.constant 0 : i32
        %dma_start3A_415 = arith.constant 0 : i32
        %dma_start3A_416 = arith.constant 0 : i32
        %dma_start3A_417 = tpu.memref_slice %arg6[%dma_start3A_414, %dma_start3A_415, %dma_start3A_416] : memref<64x4x128xf32, #tpu.memory_space<vmem>> -> memref<1x4x128xf32, #tpu.memory_space<vmem>>
        %dma_start3A_418 = arith.constant 2047 : i32
        %dma_start3A_419 = arith.constant 0 : i32
        %dma_start3A_420 = arith.constant 0 : i32
        %dma_start3A_421 = tpu.memref_slice %arg4[%select_n3A, %dma_start3A_418, %dma_start3A_419, %dma_start3A_420] : memref<16x2048x4x128xf32, #tpu.memory_space<hbm>> -> memref<1x1x4x128xf32, #tpu.memory_space<hbm>>
        %dma_start3A_422 = tpu.memref_squeeze %dma_start3A_421 : memref<1x1x4x128xf32, #tpu.memory_space<hbm>> -> memref<1x4x128xf32, #tpu.memory_space<hbm>>
        %dma_start3A_423 = arith.constant 2047 : i32
        %dma_start3A_424 = arith.constant 0 : i32
        %dma_start3A_425 = arith.constant 0 : i32
        %dma_start3A_426 = tpu.memref_slice %arg4[%select_n3A, %dma_start3A_423, %dma_start3A_424, %dma_start3A_425] : memref<16x2048x4x128xf32, #tpu.memory_space<hbm>> -> memref<1x1x4x128xf32, #tpu.memory_space<hbm>>
        %dma_start3A_427 = tpu.memref_squeeze %dma_start3A_426 : memref<1x1x4x128xf32, #tpu.memory_space<hbm>> -> memref<1x4x128xf32, #tpu.memory_space<hbm>>
        %dma_start3A_428 = arith.constant 0 : i32
        %dma_start3A_429 = arith.constant 0 : i32
        %dma_start3A_430 = arith.constant 0 : i32
        %dma_start3A_431 = tpu.memref_slice %arg6[%dma_start3A_428, %dma_start3A_429, %dma_start3A_430] : memref<64x4x128xf32, #tpu.memory_space<vmem>> -> memref<1x4x128xf32, #tpu.memory_space<vmem>>
        tpu.enqueue_dma source(%dma_start3A_431 : memref<1x4x128xf32, #tpu.memory_space<vmem>>) target(%dma_start3A_427 : memref<1x4x128xf32, #tpu.memory_space<hbm>>) target_semaphore(%arg12 : memref<!tpu.dma_semaphore, #tpu.memory_space<semaphore_mem>>)
        %dma_wait3A_432 = arith.constant 0 : i32
        %dma_wait3A_433 = arith.constant 0 : i32
        %dma_wait3A_434 = arith.constant 0 : i32
        %dma_wait3A_435 = tpu.memref_slice %arg6[%dma_wait3A_432, %dma_wait3A_433, %dma_wait3A_434] : memref<64x4x128xf32, #tpu.memory_space<vmem>> -> memref<1x4x128xf32, #tpu.memory_space<vmem>>
        %dma_wait3A_436 = arith.constant 2047 : i32
        %dma_wait3A_437 = arith.constant 0 : i32
        %dma_wait3A_438 = arith.constant 0 : i32
        %dma_wait3A_439 = tpu.memref_slice %arg4[%select_n3A, %dma_wait3A_436, %dma_wait3A_437, %dma_wait3A_438] : memref<16x2048x4x128xf32, #tpu.memory_space<hbm>> -> memref<1x1x4x128xf32, #tpu.memory_space<hbm>>
        %dma_wait3A_440 = tpu.memref_squeeze %dma_wait3A_439 : memref<1x1x4x128xf32, #tpu.memory_space<hbm>> -> memref<1x4x128xf32, #tpu.memory_space<hbm>>
        %dma_wait3A_441 = arith.constant 2047 : i32
        %dma_wait3A_442 = arith.constant 0 : i32
        %dma_wait3A_443 = arith.constant 0 : i32
        %dma_wait3A_444 = tpu.memref_slice %arg4[%select_n3A, %dma_wait3A_441, %dma_wait3A_442, %dma_wait3A_443] : memref<16x2048x4x128xf32, #tpu.memory_space<hbm>> -> memref<1x1x4x128xf32, #tpu.memory_space<hbm>>
        %dma_wait3A_445 = tpu.memref_squeeze %dma_wait3A_444 : memref<1x1x4x128xf32, #tpu.memory_space<hbm>> -> memref<1x4x128xf32, #tpu.memory_space<hbm>>
        %dma_wait3A_446 = arith.constant 0 : i32
        %dma_wait3A_447 = arith.constant 0 : i32
        %dma_wait3A_448 = arith.constant 0 : i32
        %dma_wait3A_449 = tpu.memref_slice %arg6[%dma_wait3A_446, %dma_wait3A_447, %dma_wait3A_448] : memref<64x4x128xf32, #tpu.memory_space<vmem>> -> memref<1x4x128xf32, #tpu.memory_space<vmem>>
        tpu.wait_dma2 semaphore(%arg12 : memref<!tpu.dma_semaphore, #tpu.memory_space<semaphore_mem>>) src(%dma_wait3A_449 : memref<1x4x128xf32, #tpu.memory_space<vmem>>) dst(%dma_wait3A_445 : memref<1x4x128xf32, #tpu.memory_space<hbm>>)
      } else {
      }
    } else {
    }
    return
  }
}

</mosaic_0001>

<sc_bundles>
// kernel: kernel.3.cloned.1.call-start
scs
__scs_entry_jumppad:
0x0: {  	(pc) =	sbr.rel $0x88, $3  }
0x1: {  	(tag) =	ssettag $0x0;
	lr =	simm.s32 $0x1  }
0x2: {  	[smem:$0x3FA0] =	sst lr;
	_ =	strace $0xD0000000  }
0x3: {  	_ = 	snop  }
0x4: {  	_ = 	snop  }
0x5: {  	_ = 	snop  }
0x6: {  	_ = 	snop  }
0x7: {  	_ = 	snop  }
__scs_overlays_trampoline_lowered:
0x8: {  	[smem:$0x3FAF] =	sst s0  }
0x9: {  	[smem:$0x3FB0] =	sst s1  }
0xa: {  	[smem:$0x3FB1] =	sst s2  }
0xb: {  	[smem:$0x3FB2] =	sst s3  }
0xc: {  	[smem:$0x3FB3] =	sst s4  }
0xd: {  	[smem:$0x3FB4] =	sst s5  }
0xe: {  	[smem:$0x3FB5] =	sst s6  }
0xf: {  	[smem:$0x3FB6] =	sst s7  }
0x10: {  	[smem:$0x3FB7] =	sst s8  }
0x11: {  	[smem:$0x3FB8] =	sst s9;
	s0 =	simm.s32 @!p0 $0x0  }
0x12: {  	s1 =	sld [smem:$0x3F9E];
	s0 =	simm.s32 @p0 $0x1  }
0x13: {  	[smem:$0x3FB9] =	sst s0;
	s0 =	simm.s32 @!p1 $0x0  }
0x14: {  	s2 =	sld [smem:$0x3F9D];
	s0 =	simm.s32 @p1 $0x1  }
0x15: {  	[smem:$0x3FBA] =	sst s0;
	s0 =	simm.s32 @!p2 $0x0  }
0x16: {  	s3 =	sld [smem:$0x3FDB];
	s0 =	simm.s32 @p2 $0x1  }
0x17: {  	s4 =	simm.s32 $0x1BF5;
	[smem:$0x3FBC] =	sst s0  }
0x18: {  	s0 =	sld [smem:$0x3F9F];
	_ =	swait.ge [sflag:s4], $0x0  }
0x19: {  	s7 =	sld [smem:$0x3FA0]  }
0x1a: {  	s8 =	sadd.s32 $0xFFFFE003, lr  }
0x1b: {  	s9 =	sadd.s32 $0xFFFFFEF7, lr;
	s5 =	simm.s32 $0xFFFFFFFF;
	p2 =	slt.u32 s8, $0xFFFFF086  }
0x1c: {  	p1 =	slt.u32 s9, $0xF7A;
	s5 =	simm.s32 @!p2 $0x0  }
0x1d: {  	s5 =	simm.s32 @p1 $0x1;
	p0 =	seq.s32 s7, s2  }
0x1e: {  	s7 =	smul.u32 @!p0 $0xF7A, s2;
	p2 =	seq.s32 @!p0 s5, $0x0  }
0x1f: {  	s9 =	smul.u32 $0xF7A, s1;
	s8 =	simm.s32 @!p0 $0x1BF5;
	p2 =	por !p2, p0  }
0x20: {  	[sflag:s8] =	ssyncset.s32 @!p0 $0xFFFFF086;
	s6 =	sadd.s32 @!p0 s3, s7;
	s7 =	simm.s32 @!p0 $0x108  }
0x21: {  	s3 =	sadd.s32 s3, s9;
	s6 =	sadd.s32 @!p0 $0x88, s6;
	s7 =	simm.s32 @p2 $0x1082  }
0x22: {  	[simem:s7], [sflag:s8] =	dma.local @!p0 [hbm:s6], $0xF7A  }
0x23: {  	s9 =	sor.u32 $0xD0000000, s2;
	s6 =	simm.s32 $0x108;
	_ =	swait.ge @!p0 [sflag:s8], $0x0  }
0x24: {  	s3 =	sadd.s32 $0x88, s3;
	s6 =	simm.s32 @!p1 $0x1082;
	[sflag:s4] =	ssyncset.s32 $0xFFFFF086  }
0x25: {  	[simem:s6], [sflag:s4] =	dma.local [hbm:s3], $0xF7A  }
0x26: {  	[smem:$0x3FA0] =	sst s1;
	(tag) =	ssettag s2;
	_ =	strace s9  }
0x27: {  	s1 =	sld [smem:$0x3FB0]  }
0x28: {  	s2 =	sld [smem:$0x3FB1]  }
0x29: {  	s4 =	sld [smem:$0x3FB3]  }
0x2a: {  	p0 =	seq.s32 s5, $0x0;
	s5 =	sld [smem:$0x3FB4]  }
0x2b: {  	s6 =	sld [smem:$0x3FB5]  }
0x2c: {  	s7 =	sld [smem:$0x3FB6]  }
0x2d: {  	s3 =	simm.s32 $0x108;
	s8 =	sld [smem:$0x3FB7]  }
0x2e: {  	s3 =	simm.s32 @!p0 $0x1082;
	s9 =	sld [smem:$0x3FB8]  }
0x2f: {  	lr =	sadd.s32 s0, s3;
	s0 =	sld [smem:$0x3FAF]  }
0x30: {  	s3 =	sld [smem:$0x3FB2]  }
0x31: {  	[smem:$0x3FBB] =	sst s10  }
0x32: {  	s10 =	sld [smem:$0x3FB9];
	_ =	sdelay $0x3  }
0x33: {  	p0 =	seq.s32 s10, $0x1;
	s10 =	sld [smem:$0x3FBB];
	_ =	sdelay $0x3  }
0x34: {  	[smem:$0x3FBB] =	sst s10  }
0x35: {  	s10 =	sld [smem:$0x3FBA];
	_ =	sdelay $0x3  }
0x36: {  	p1 =	seq.s32 s10, $0x1;
	s10 =	sld [smem:$0x3FBB];
	_ =	sdelay $0x3  }
0x37: {  	[smem:$0x3FBB] =	sst s10  }
0x38: {  	s10 =	sld [smem:$0x3FBC]  }
0x39: {  	_ = 	snop;
	(pc) =	sbr.ind lr, $3  }
0x3a: {  	_ = 	snop  }
0x3b: {  	_ = 	snop  }
0x3c: {  	p2 =	seq.s32 s10, $0x1;
	s10 =	sld [smem:$0x3FBB]  }
0x3d: {  	_ =	shalt  }
0x3e: {  	_ =	shalt  }
0x3f: {  	_ =	shalt  }
0x40: {  	_ =	shalt  }
0x41: {  	_ =	shalt  }
0x42: {  	_ =	shalt  }
0x43: {  	_ =	shalt  }
0x44: {  	_ =	shalt  }
0x45: {  	_ =	shalt  }
0x46: {  	_ =	shalt  }
0x47: {  	_ =	shalt  }
0x48: {  	_ =	shalt  }
0x49: {  	_ =	shalt  }
0x4a: {  	_ =	shalt  }
0x4b: {  	_ =	shalt  }
0x4c: {  	_ =	shalt  }
0x4d: {  	_ =	shalt  }
0x4e: {  	_ =	shalt  }
0x4f: {  	_ =	shalt  }
0x50: {  	_ =	shalt  }
0x51: {  	_ =	shalt  }
0x52: {  	_ =	shalt  }
0x53: {  	_ =	shalt  }
0x54: {  	_ =	shalt  }
0x55: {  	_ =	shalt  }
0x56: {  	_ =	shalt  }
0x57: {  	_ =	shalt  }
0x58: {  	_ =	shalt  }
0x59: {  	_ =	shalt  }
0x5a: {  	_ =	shalt  }
0x5b: {  	_ =	shalt  }
0x5c: {  	_ =	shalt  }
0x5d: {  	_ =	shalt  }
0x5e: {  	_ =	shalt  }
0x5f: {  	_ =	shalt  }
0x60: {  	_ =	shalt  }
0x61: {  	_ =	shalt  }
0x62: {  	_ =	shalt  }
0x63: {  	_ =	shalt  }
0x64: {  	_ =	shalt  }
0x65: {  	_ =	shalt  }
0x66: {  	_ =	shalt  }
0x67: {  	_ =	shalt  }
0x68: {  	_ =	shalt  }
0x69: {  	_ =	shalt  }
0x6a: {  	_ =	shalt  }
0x6b: {  	_ =	shalt  }
0x6c: {  	_ =	shalt  }
0x6d: {  	_ =	shalt  }
0x6e: {  	_ =	shalt  }
0x6f: {  	_ =	shalt  }
0x70: {  	_ =	shalt  }
0x71: {  	_ =	shalt  }
0x72: {  	_ =	shalt  }
0x73: {  	_ =	shalt  }
0x74: {  	_ =	shalt  }
0x75: {  	_ =	shalt  }
0x76: {  	_ =	shalt  }
0x77: {  	_ =	shalt  }
0x78: {  	_ =	shalt  }
0x79: {  	_ =	shalt  }
0x7a: {  	_ =	shalt  }
0x7b: {  	_ =	shalt  }
0x7c: {  	_ =	shalt  }
0x7d: {  	_ =	shalt  }
0x7e: {  	_ =	shalt  }
0x7f: {  	_ =	shalt  }
0x80: {  	_ =	shalt  }
0x81: {  	_ =	shalt  }
0x82: {  	_ =	shalt  }
0x83: {  	_ =	shalt  }
0x84: {  	_ =	shalt  }
0x85: {  	_ =	shalt  }
0x86: {  	_ =	shalt  }
0x87: {  	_ =	shalt  }
.Lfunc_end0:
.L_simem_size_0:
called_computation_lowered:
.L_overlay_start_0:
0x88: {  	s2 =	sld [smem:$0x3FD9]  }
0x89: {  	s3 =	sld [smem:$0x3FFE];
	_ =	sdelay $0x1  }
0x8a: {  	s1 =	srdreg.scid  }
0x8b: {  	s0 =	sand.u32 $0x1, s1  }
0x8c: {  	s17 =	sshll.u32 s0, $0xA;
	s2 =	sadd.s32 s3, s2  }
0x8d: {  	s2 =	sadd.s32 s2, s17  }
0x8e: {  	[smem:$0x3FC7] =	sst s2  }
0x8f: {  	_ = 	snop  }
0x90: {  	s2 =	sld [smem:$0x3FC9]  }
0x91: {  	s18 =	sld [smem:$0x3FD0];
	(tm) =	ssettm $0x1  }
0x92: {  	s4 =	sld [smem:$0x3FFB];
	_ =	sdelay $0x3  }
0x93: {  	_ =	strace s4  }
0x94: {  	s4 =	sld [smem:$0x3FFC];
	_ =	sdelay $0x3  }
0x95: {  	_ =	strace s4  }
0x96: {  	s4 =	sld [smem:$0x3FFD];
	_ =	sdelay $0x3  }
0x97: {  	_ =	strace s4  }
0x98: {  	_ =	strace $0x8FFFFFFF  }
0x99: {  	s19 =	sld [smem:$0x3FDB];
	_ =	sdelay $0x1  }
0x9a: {  	s5 =	simm.s32 $_scs_section_size  }
0x9b: {  	s6 =	simm.s32 $_size__tile_overlayer_lowered;
	s7 =	simm.s32 $_tile_overlayer_lowered  }
0x9c: {  	s22 =	simm.s32 $0x1BFF;
	s21 =	sshll.u32 s7, $0x1;
	s4 =	sadd.s32 s5, s19  }
0x9d: {  	s8 =	simm.s32 $0x0;
	s20 =	sshll.u32 s6, $0x1;
	s6 =	sadd.s32 s21, s4  }
0x9e: {  	[timem:s8], [sflag:s22] =	dma.local [hbm:s6], s20  }
0x9f: {  	_ =	swait.ge [sflag:s22], s20  }
0xa0: {  	s5 =	ssub.s32 $0x0, s20;
	[sflag:s22] =	ssyncset.done $0x0  }
0xa1: {  	[sflag:s22] =	ssyncadd.s32 s5;
	_ =	sdelay $0x1  }
0xa2: {  	s23 =	simm.s32 $0x1B8B  }
0xa3: {  	_ =	swait.ge [sflag:s23], $0x1  }
0xa4: {  	[sflag:s23] =	ssyncset.done $0x0  }
0xa5: {  	s25 =	simm.s32 $0x1B8E;
	s24 =	sld [smem:$0x3FFE];
	[sflag:s23] =	ssyncadd.s32 $0xFFFFFFFF  }
0xa6: {  	s26 =	simm.s32 $execute0_lowered;
	[smem:$0x3FD2] =	sst s25  }
0xa7: {  	s6 =	sshll.u32 s26, $0x1;
	_ =	strace $0x80000046;
	[dreg:$0x1] =	wrdreg $0xFFFFFFFF  }
0xa8: {  	s28 =	simm.s32 $_size_execute0_lowered;
	s4 =	sadd.s32 s4, s6;
	[dreg:$0x0] =	wrdreg $0x0  }
0xa9: {  	s6 =	sshll.u32 s28, $0x1;
	[dreg:$0x2] =	wrdreg s4  }
0xaa: {  	[dreg:$0x3] =	wrdreg s6  }
0xab: {  	[dreg:$0x4] =	wrdreg $0xC0  }
0xac: {  	_ =	task [dreg:s8], $0x5FFFF  }
0xad: {  	[dreg:$0x1] =	wrdreg $0xFFFFFFFF  }
0xae: {  	[dreg:$0x0] =	wrdreg $0x60  }
0xaf: {  	[dreg:$0x2] =	wrdreg s2  }
0xb0: {  	[dreg:$0x3] =	wrdreg s24  }
0xb1: {  	[dreg:$0x4] =	wrdreg s18  }
0xb2: {  	[dreg:$0x5] =	wrdreg $0x9  }
0xb3: {  	_ =	task.clear_ibuf [dreg:s8], $0x6FFFF;
	_ =	strace $0x90000046  }
0xb4: {  	s29 =	simm.s32 $0x9;
	_ =	strace $0x80000048  }
0xb5: {  	_ =	swait.ge [sflag:s29], $0x1  }
0xb6: {  	[sflag:s29] =	ssyncadd.s32 $0xFFFFFFFF  }
0xb7: {  	_ =	strace $0x90000048  }
0xb8: {  	_ =	sfence  }
0xb9: {  	s30 =	sld [smem:$0x0];
	_ =	sdelay $0x2  }
0xba: {  	s31 =	sshll.u32 s1, $0xD;
	s1 =	sshrl.u32 s1, $0x2  }
0xbb: {  	s3 =	sand.u32 $0x4000, s31;
	s1 =	sadd.s32 s1, s30  }
0xbc: {  	s0 =	sor.u32 s3, s0;
	s1 =	sshll.u32 s1, $0x11  }
0xbd: {  	s0 =	sor.u32 s1, s0  }
0xbe: {  	s0 =	sadd.s32 $0x8F2B, s0  }
0xbf: {  	[sflag:s0] =	ssyncadd.remote.s32 $0x1  }
0xc0: {  	_ =	sfence.sel $0xFFFF  }
0xc1: {  	[dreg:$0x0] =	wrdreg $0xFFFFFFFF;
	(pc) =	sbr.abs _section_cstart, $3  }
0xc2: {  	[dreg:$0x1] =	wrdreg $0xFFFFFFFF  }
0xc3: {  	_ =	task.clear_ibuf [dreg:s8], $0x2FFFF;
	_ =	strace $0x9FFFFFFF  }
0xc4: {  	(tm) =	ssettm $0x7FFFFFFF  }
0xc5: {  	_ =	shalt  }
tec
execute0_lowered:
.L_overlay_start_1:
0x0: {  	(tag) =	ssettag $0x1  }
0x1: {  	s0 =	srdreg.scid  }
0x2: {  	s23 =	stileid.u32;
	s14 =	rddreg [dreg:$0x0];
	s12 =	sand.u32 $0x1, s0  }
0x3: {  	s15 =	rddreg [dreg:$0x2];
	s2 =	simm.s32 $0x0;
	s0 =	sor.u32 s12, s23  }
0x4: {  	p1 =	seq.s32 s12, $0x1;
	s4 =	ssub.s32 $0x2, s12;
	p0 =	seq.s32 s0, $0x0  }
0x5: {  	[smem:$0x7FF] =	sst s2;
	s11 =	sshrl.u32 s4, $0x1;
	p0 =	por !p0, !p1  }
0x6: {  	s0 =	simm.s32 $0x1;
	s22 =	ssub.s32 s4, s11;
	p0 =	por !p0, !p0  }
0x7: {  	s10 =	sshll.u32 s12, $0x13;
	s22 =	smax.u32 s22, $0x1;
	s0 =	simm.s32 @!p0 $0x0  }
0x8: {  	p0 =	sne.s32 s12, $0x0;
	s1 =	ssub.s32 s23, s0;
	s23 =	sshll.u32 s23, $0x11  }
0x9: {  	s12 =	simm.s32 $0x2;
	s3 =	sshll.u32 s1, $0x14;
	s26 =	sadd.s32 s23, s15  }
0xa: {  	p1 =	sgt.u32 s1, $0x7;
	s0 =	sor.u32 s10, s3;
	s10 =	sshll.u32 s1, $0x11  }
0xb: {  	s16 =	sshrl.u32 s0, $0x3;
	s24 =	sadd.s32 s10, s15;
	s11 =	sor.u32 $0x1FFC0, s10  }
0xc: {  	s0 =	sor.u32 $0x1000, s16;
	s13 =	sor.u32 $0x2000, s16;
	s17 =	sor.u32 $0x3000, s16  }
0xd: {  	s18 =	sor.u32 $0x4000, s16;
	s19 =	sor.u32 $0x5000, s16;
	s20 =	sor.u32 $0x6000, s16  }
0xe: {  	s21 =	sor.u32 $0x7000, s16;
	s10 =	sadd.s32 s14, s11;
	s11 =	sadd.s32 s15, s11  }
0xf: {  	s3 =	sadd.s32 s15, s0;
	s4 =	sadd.s32 s15, s13;
	s5 =	sadd.s32 s15, s17  }
0x10: {  	s6 =	sadd.s32 s15, s18;
	[dreg:$0x4] =	wrdreg s10;
	s0 =	sadd.s32 s14, s0  }
0x11: {  	s7 =	sadd.s32 s15, s19;
	s13 =	sadd.s32 s14, s13;
	[dreg:$0x5] =	wrdreg s0  }
0x12: {  	s8 =	sadd.s32 s15, s20;
	s23 =	sadd.s32 s14, s17;
	[dreg:$0x6] =	wrdreg s13  }
0x13: {  	s9 =	sadd.s32 s15, s21;
	s25 =	sadd.s32 s14, s18;
	[dreg:$0x7] =	wrdreg s23  }
0x14: {  	s29 =	sadd.s32 s14, s19;
	s31 =	sadd.s32 s14, s20;
	[dreg:$0x8] =	wrdreg s25  }
0x15: {  	s10 =	sadd.s32 s14, s21;
	s17 =	sor.u32 $0x9000, s16;
	[dreg:$0x9] =	wrdreg s29  }
0x16: {  	s18 =	sor.u32 $0xA000, s16;
	s20 =	sor.u32 $0xB000, s16;
	[dreg:$0xa] =	wrdreg s31  }
0x17: {  	[dreg:$0xb] =	wrdreg s10;
	s13 =	sor.u32 $0x8000, s16;
	s21 =	sadd.s32 s15, s17  }
0x18: {  	s23 =	sadd.s32 s15, s18;
	s25 =	sadd.s32 s15, s20;
	s29 =	sor.u32 $0xC000, s16  }
0x19: {  	s31 =	sor.u32 $0xD000, s16;
	s10 =	sor.u32 $0xE000, s16;
	s0 =	sadd.s32 s14, s13  }
0x1a: {  	s19 =	sadd.s32 s15, s13;
	[dreg:$0xc] =	wrdreg s0;
	s0 =	sadd.s32 s14, s17  }
0x1b: {  	s28 =	sadd.s32 s15, s29;
	s17 =	sadd.s32 s14, s10;
	[dreg:$0xd] =	wrdreg s0  }
0x1c: {  	s30 =	sadd.s32 s15, s31;
	s0 =	sadd.s32 s14, s18;
	[dreg:$0x12] =	wrdreg s17  }
0x1d: {  	s13 =	sadd.s32 s15, s16;
	s18 =	sadd.s32 s14, s16;
	[dreg:$0xe] =	wrdreg s0  }
0x1e: {  	s16 =	sor.u32 $0xF000, s16;
	s0 =	sadd.s32 s14, s20;
	[dreg:$0x13] =	wrdreg s18  }
0x1f: {  	s20 =	rddreg [dreg:$0x1];
	s18 =	sadd.s32 $0x1F000, s24;
	s24 =	simm.s32 $0x1  }
0x20: {  	[dreg:$0xf] =	wrdreg s0;
	s0 =	sadd.s32 s14, s29;
	s29 =	sadd.s32 s14, s16  }
.Ltmp0:
0x21: {  	s17 =	sadd.s32 $0x400, s20;
	[dreg:$0x10] =	wrdreg s0;
	(pc) =	sbr.rel .LBB2_1-.Ltmp0, $4  }
0x22: {  	s20 =	sadd.s32 $0xF000, s26;
	s0 =	sadd.s32 s14, s31;
	[dreg:$0x14] =	wrdreg s29  }
0x23: {  	s26 =	simm.s32 $0x4;
	s31 =	sadd.s32 s15, s16;
	[dreg:$0x11] =	wrdreg s0  }
0x24: {  	s14 =	simm.s32 $0x3;
	s16 =	simm.s32 $0x6;
	[dreg:$0x15] =	wrdreg s31  }
0x25: {  	s0 =	sadd.s32 s15, s10;
	s15 =	simm.s32 $0x5;
	_ =	strace $0x80000047  }
.LBB2_3:
0x26: {  	s10 =	rddreg [dreg:$0x13]  }
0x27: {  	[tilespmem:s2], [sflag:$0x1] =	stream.linear.gather [hbm4b:s10+s2], $0x8000, $0x38;
	[tilespmem:$0x18000] =	vst v63  }
0x28: {  	s31 =	rddreg [dreg:$0x5];
	s29 =	simm.s32 $0x8000  }
0x29: {  	[tilespmem:s29], [sflag:$0x2] =	stream.linear.gather [hbm4b:s31+s2], $0x8000, $0x38;
	[tilespmem:$0x18000] =	vst v63  }
0x2a: {  	_ =	swait.ge [sflag:s24], $0x8000  }
0x2b: {  	[sflag:s24] =	ssyncset.done $0x0  }
0x2c: {  	[sflag:s24] =	ssyncadd.s32 $0xFFFF8000  }
0x2d: {  	[hbm4b:s13+s2] =	stream.linear.scatter [tilespmem:s2], [sflag:$0x4], $0x8000, $0x38;
	[tilespmem:$0x18000] =	vst v63  }
0x2e: {  	s31 =	simm.s32 $0x10000;
	s10 =	rddreg [dreg:$0x6]  }
0x2f: {  	[tilespmem:s31], [sflag:$0x3] =	stream.linear.gather [hbm4b:s10+s2], $0x8000, $0x38;
	[tilespmem:$0x18000] =	vst v63  }
0x30: {  	_ =	swait.ge [sflag:s12], $0x8000  }
0x31: {  	[sflag:s12] =	ssyncset.done $0x0  }
0x32: {  	[sflag:s12] =	ssyncadd.s32 $0xFFFF8000  }
0x33: {  	[hbm4b:s3+s2] =	stream.linear.scatter [tilespmem:s29], [sflag:$0x5], $0x8000, $0x38;
	[tilespmem:$0x18000] =	vst v63  }
0x34: {  	_ =	swait.ge [sflag:s26], $0x8000  }
0x35: {  	[sflag:s26] =	ssyncset.done $0x0  }
0x36: {  	s10 =	rddreg [dreg:$0x7];
	[sflag:s26] =	ssyncadd.s32 $0xFFFF8000  }
0x37: {  	[tilespmem:s2], [sflag:$0x1] =	stream.linear.gather [hbm4b:s10+s2], $0x8000, $0x38;
	[tilespmem:$0x18000] =	vst v63  }
0x38: {  	_ =	swait.ge [sflag:s14], $0x8000  }
0x39: {  	[sflag:s14] =	ssyncset.done $0x0  }
0x3a: {  	[sflag:s14] =	ssyncadd.s32 $0xFFFF8000  }
0x3b: {  	[hbm4b:s4+s2] =	stream.linear.scatter [tilespmem:s31], [sflag:$0x6], $0x8000, $0x38;
	[tilespmem:$0x18000] =	vst v63  }
0x3c: {  	_ =	swait.ge [sflag:s15], $0x8000  }
0x3d: {  	[sflag:s15] =	ssyncset.done $0x0  }
0x3e: {  	s10 =	rddreg [dreg:$0x8];
	[sflag:s15] =	ssyncadd.s32 $0xFFFF8000  }
0x3f: {  	[tilespmem:s29], [sflag:$0x2] =	stream.linear.gather [hbm4b:s10+s2], $0x8000, $0x38;
	[tilespmem:$0x18000] =	vst v63  }
0x40: {  	_ =	swait.ge [sflag:s24], $0x8000  }
0x41: {  	[sflag:s24] =	ssyncset.done $0x0  }
0x42: {  	[sflag:s24] =	ssyncadd.s32 $0xFFFF8000  }
0x43: {  	[hbm4b:s5+s2] =	stream.linear.scatter [tilespmem:s2], [sflag:$0x4], $0x8000, $0x38;
	[tilespmem:$0x18000] =	vst v63  }
0x44: {  	_ =	swait.ge [sflag:s16], $0x8000  }
0x45: {  	[sflag:s16] =	ssyncset.done $0x0  }
0x46: {  	s10 =	rddreg [dreg:$0x9];
	[sflag:s16] =	ssyncadd.s32 $0xFFFF8000  }
0x47: {  	[tilespmem:s31], [sflag:$0x3] =	stream.linear.gather [hbm4b:s10+s2], $0x8000, $0x38;
	[tilespmem:$0x18000] =	vst v63  }
0x48: {  	_ =	swait.ge [sflag:s12], $0x8000  }
0x49: {  	[sflag:s12] =	ssyncset.done $0x0  }
0x4a: {  	[sflag:s12] =	ssyncadd.s32 $0xFFFF8000  }
0x4b: {  	[hbm4b:s6+s2] =	stream.linear.scatter [tilespmem:s29], [sflag:$0x5], $0x8000, $0x38;
	[tilespmem:$0x18000] =	vst v63  }
0x4c: {  	_ =	swait.ge [sflag:s26], $0x8000  }
0x4d: {  	[sflag:s26] =	ssyncset.done $0x0  }
0x4e: {  	s10 =	rddreg [dreg:$0xa];
	[sflag:s26] =	ssyncadd.s32 $0xFFFF8000  }
0x4f: {  	[tilespmem:s2], [sflag:$0x1] =	stream.linear.gather [hbm4b:s10+s2], $0x8000, $0x38;
	[tilespmem:$0x18000] =	vst v63  }
0x50: {  	_ =	swait.ge [sflag:s14], $0x8000  }
0x51: {  	[sflag:s14] =	ssyncset.done $0x0  }
0x52: {  	[sflag:s14] =	ssyncadd.s32 $0xFFFF8000  }
0x53: {  	[hbm4b:s7+s2] =	stream.linear.scatter [tilespmem:s31], [sflag:$0x6], $0x8000, $0x38;
	[tilespmem:$0x18000] =	vst v63  }
0x54: {  	_ =	swait.ge [sflag:s15], $0x8000  }
0x55: {  	[sflag:s15] =	ssyncset.done $0x0  }
0x56: {  	s10 =	rddreg [dreg:$0xb];
	[sflag:s15] =	ssyncadd.s32 $0xFFFF8000  }
0x57: {  	[tilespmem:s29], [sflag:$0x2] =	stream.linear.gather [hbm4b:s10+s2], $0x8000, $0x38;
	[tilespmem:$0x18000] =	vst v63  }
0x58: {  	_ =	swait.ge [sflag:s24], $0x8000  }
0x59: {  	[sflag:s24] =	ssyncset.done $0x0  }
0x5a: {  	[sflag:s24] =	ssyncadd.s32 $0xFFFF8000  }
0x5b: {  	[hbm4b:s8+s2] =	stream.linear.scatter [tilespmem:s2], [sflag:$0x4], $0x8000, $0x38;
	[tilespmem:$0x18000] =	vst v63  }
0x5c: {  	_ =	swait.ge [sflag:s16], $0x8000  }
0x5d: {  	[sflag:s16] =	ssyncset.done $0x0  }
0x5e: {  	s10 =	rddreg [dreg:$0xc];
	[sflag:s16] =	ssyncadd.s32 $0xFFFF8000  }
0x5f: {  	[tilespmem:s31], [sflag:$0x3] =	stream.linear.gather [hbm4b:s10+s2], $0x8000, $0x38;
	[tilespmem:$0x18000] =	vst v63  }
0x60: {  	_ =	swait.ge [sflag:s12], $0x8000  }
0x61: {  	[sflag:s12] =	ssyncset.done $0x0  }
0x62: {  	[sflag:s12] =	ssyncadd.s32 $0xFFFF8000  }
0x63: {  	[hbm4b:s9+s2] =	stream.linear.scatter [tilespmem:s29], [sflag:$0x5], $0x8000, $0x38;
	[tilespmem:$0x18000] =	vst v63  }
0x64: {  	_ =	swait.ge [sflag:s26], $0x8000  }
0x65: {  	[sflag:s26] =	ssyncset.done $0x0  }
0x66: {  	s10 =	rddreg [dreg:$0xd];
	[sflag:s26] =	ssyncadd.s32 $0xFFFF8000  }
0x67: {  	[tilespmem:s2], [sflag:$0x1] =	stream.linear.gather [hbm4b:s10+s2], $0x8000, $0x38;
	[tilespmem:$0x18000] =	vst v63  }
0x68: {  	_ =	swait.ge [sflag:s14], $0x8000  }
0x69: {  	[sflag:s14] =	ssyncset.done $0x0  }
0x6a: {  	[sflag:s14] =	ssyncadd.s32 $0xFFFF8000  }
0x6b: {  	[hbm4b:s19+s2] =	stream.linear.scatter [tilespmem:s31], [sflag:$0x6], $0x8000, $0x38;
	[tilespmem:$0x18000] =	vst v63  }
0x6c: {  	_ =	swait.ge [sflag:s15], $0x8000  }
0x6d: {  	[sflag:s15] =	ssyncset.done $0x0  }
0x6e: {  	s10 =	rddreg [dreg:$0xe];
	[sflag:s15] =	ssyncadd.s32 $0xFFFF8000  }
0x6f: {  	[tilespmem:s29], [sflag:$0x2] =	stream.linear.gather [hbm4b:s10+s2], $0x8000, $0x38;
	[tilespmem:$0x18000] =	vst v63  }
0x70: {  	_ =	swait.ge [sflag:s24], $0x8000  }
0x71: {  	[sflag:s24] =	ssyncset.done $0x0  }
0x72: {  	[sflag:s24] =	ssyncadd.s32 $0xFFFF8000  }
0x73: {  	[hbm4b:s21+s2] =	stream.linear.scatter [tilespmem:s2], [sflag:$0x4], $0x8000, $0x38;
	[tilespmem:$0x18000] =	vst v63  }
0x74: {  	_ =	swait.ge [sflag:s16], $0x8000  }
0x75: {  	[sflag:s16] =	ssyncset.done $0x0  }
0x76: {  	s10 =	rddreg [dreg:$0xf];
	[sflag:s16] =	ssyncadd.s32 $0xFFFF8000  }
0x77: {  	[tilespmem:s31], [sflag:$0x3] =	stream.linear.gather [hbm4b:s10+s2], $0x8000, $0x38;
	[tilespmem:$0x18000] =	vst v63  }
0x78: {  	_ =	swait.ge [sflag:s12], $0x8000  }
0x79: {  	[sflag:s12] =	ssyncset.done $0x0  }
0x7a: {  	[sflag:s12] =	ssyncadd.s32 $0xFFFF8000  }
0x7b: {  	[hbm4b:s23+s2] =	stream.linear.scatter [tilespmem:s29], [sflag:$0x5], $0x8000, $0x38;
	[tilespmem:$0x18000] =	vst v63  }
0x7c: {  	_ =	swait.ge [sflag:s26], $0x8000  }
0x7d: {  	[sflag:s26] =	ssyncset.done $0x0  }
0x7e: {  	s10 =	rddreg [dreg:$0x10];
	[sflag:s26] =	ssyncadd.s32 $0xFFFF8000  }
0x7f: {  	[tilespmem:s2], [sflag:$0x1] =	stream.linear.gather [hbm4b:s10+s2], $0x8000, $0x38;
	[tilespmem:$0x18000] =	vst v63  }
0x80: {  	_ =	swait.ge [sflag:s14], $0x8000  }
0x81: {  	[sflag:s14] =	ssyncset.done $0x0  }
0x82: {  	[sflag:s14] =	ssyncadd.s32 $0xFFFF8000  }
0x83: {  	[hbm4b:s25+s2] =	stream.linear.scatter [tilespmem:s31], [sflag:$0x6], $0x8000, $0x38;
	[tilespmem:$0x18000] =	vst v63  }
0x84: {  	_ =	swait.ge [sflag:s15], $0x8000  }
0x85: {  	[sflag:s15] =	ssyncset.done $0x0  }
0x86: {  	s10 =	rddreg [dreg:$0x11];
	[sflag:s15] =	ssyncadd.s32 $0xFFFF8000  }
0x87: {  	[tilespmem:s29], [sflag:$0x2] =	stream.linear.gather [hbm4b:s10+s2], $0x8000, $0x38;
	[tilespmem:$0x18000] =	vst v63  }
0x88: {  	_ =	swait.ge [sflag:s24], $0x8000  }
0x89: {  	[sflag:s24] =	ssyncset.done $0x0  }
0x8a: {  	[sflag:s24] =	ssyncadd.s32 $0xFFFF8000  }
0x8b: {  	[hbm4b:s28+s2] =	stream.linear.scatter [tilespmem:s2], [sflag:$0x4], $0x8000, $0x38;
	[tilespmem:$0x18000] =	vst v63  }
0x8c: {  	_ =	swait.ge [sflag:s16], $0x8000  }
0x8d: {  	[sflag:s16] =	ssyncset.done $0x0  }
0x8e: {  	s10 =	rddreg [dreg:$0x12];
	[sflag:s16] =	ssyncadd.s32 $0xFFFF8000  }
0x8f: {  	[tilespmem:s31], [sflag:$0x3] =	stream.linear.gather [hbm4b:s10+s2], $0x8000, $0x38;
	[tilespmem:$0x18000] =	vst v63  }
0x90: {  	_ =	swait.ge [sflag:s12], $0x8000  }
0x91: {  	[sflag:s12] =	ssyncset.done $0x0  }
0x92: {  	[sflag:s12] =	ssyncadd.s32 $0xFFFF8000  }
0x93: {  	[hbm4b:s30+s2] =	stream.linear.scatter [tilespmem:s29], [sflag:$0x5], $0x8000, $0x38;
	[tilespmem:$0x18000] =	vst v63  }
0x94: {  	_ =	swait.ge [sflag:s26], $0x8000  }
0x95: {  	[sflag:s26] =	ssyncset.done $0x0  }
0x96: {  	s29 =	rddreg [dreg:$0x14];
	[sflag:s26] =	ssyncadd.s32 $0xFFFF8000  }
0x97: {  	[tilespmem:s2], [sflag:$0x1] =	stream.linear.gather [hbm4b:s29+s2], $0x8000, $0x38;
	[tilespmem:$0x18000] =	vst v63  }
0x98: {  	_ =	swait.ge [sflag:s14], $0x8000  }
0x99: {  	[sflag:s14] =	ssyncset.done $0x0  }
0x9a: {  	[sflag:s14] =	ssyncadd.s32 $0xFFFF8000  }
0x9b: {  	[hbm4b:s0+s2] =	stream.linear.scatter [tilespmem:s31], [sflag:$0x6], $0x8000, $0x38;
	[tilespmem:$0x18000] =	vst v63  }
0x9c: {  	_ =	swait.ge [sflag:s24], $0x8000  }
0x9d: {  	[sflag:s24] =	ssyncset.done $0x0  }
0x9e: {  	s31 =	rddreg [dreg:$0x15];
	[sflag:s24] =	ssyncadd.s32 $0xFFFF8000  }
0x9f: {  	[hbm4b:s31+s2] =	stream.linear.scatter [tilespmem:s2], [sflag:$0x4], $0x8000, $0x38;
	[tilespmem:$0x18000] =	vst v63  }
0xa0: {  	_ =	swait.ge [sflag:s15], $0x8000  }
0xa1: {  	[sflag:s15] =	ssyncset.done $0x0  }
0xa2: {  	[sflag:s15] =	ssyncadd.s32 $0xFFFF8000  }
0xa3: {  	_ =	swait.ge [sflag:s16], $0x8000  }
0xa4: {  	[sflag:s16] =	ssyncset.done $0x0  }
0xa5: {  	[sflag:s16] =	ssyncadd.s32 $0xFFFF8000  }
0xa6: {  	_ =	swait.ge [sflag:s26], $0x8000  }
0xa7: {  	[sflag:s26] =	ssyncset.done $0x0  }
0xa8: {  	[sflag:s26] =	ssyncadd.s32 $0xFFFF8000  }
.LBB2_4:
0xa9: {  	s22 =	sadd.s32 $0xFFFFFFFF, s22  }
0xaa: {  	p2 =	sne.s32 s22, $0x0  }
.Ltmp1:
0xab: {  	_ = 	snop;
	(pc) =	sbr.rel @!p2 .LBB2_5-.Ltmp1, $1  }
0xac: {  	_ =	sdelay $0x3  }
.LBB2_1:
0xad: {  	s29 =	simm.s32 @!p1 $0x1  }
0xae: {  	s29 =	sshll.u32 @!p1 s29, s1  }
0xaf: {  	s29 =	sand.u32 @!p1 $0xCC, s29  }
0xb0: {  	p2 =	sne.s32 @!p1 s29, $0x0  }
0xb1: {  	p2 =	por p1, !p2  }
.Ltmp2:
0xb2: {  	_ = 	snop;
	(pc) =	sbr.rel @p2 .LBB2_3-.Ltmp2, $1  }
0xb3: {  	_ =	sdelay $0x3  }
0xb4: {  	[tilespmem:s2], [sflag:$0x1] =	stream.linear.gather [hbm4b:s17+s2], $0x8000, $0x38;
	[tilespmem:$0x18000] =	vst v63  }
0xb5: {  	_ =	swait.ge [sflag:s24], $0x8000  }
0xb6: {  	[sflag:s24] =	ssyncset.done $0x0  }
0xb7: {  	[sflag:s24] =	ssyncadd.s32 $0xFFFF8000  }
0xb8: {  	[hbm4b:s13+s2] =	stream.linear.scatter [tilespmem:s2], [sflag:$0x4], $0x8000, $0x38;
	[tilespmem:$0x18000] =	vst v63  }
0xb9: {  	_ = 	snop  }
0xba: {  	[hbm4b:s3+s2] =	stream.linear.scatter [tilespmem:s2], [sflag:$0x4], $0x8000, $0x38;
	[tilespmem:$0x18000] =	vst v63  }
0xbb: {  	_ = 	snop  }
0xbc: {  	[hbm4b:s4+s2] =	stream.linear.scatter [tilespmem:s2], [sflag:$0x4], $0x8000, $0x38;
	[tilespmem:$0x18000] =	vst v63  }
0xbd: {  	_ = 	snop  }
0xbe: {  	[hbm4b:s5+s2] =	stream.linear.scatter [tilespmem:s2], [sflag:$0x4], $0x8000, $0x38;
	[tilespmem:$0x18000] =	vst v63  }
0xbf: {  	_ = 	snop  }
0xc0: {  	[hbm4b:s6+s2] =	stream.linear.scatter [tilespmem:s2], [sflag:$0x4], $0x8000, $0x38;
	[tilespmem:$0x18000] =	vst v63  }
0xc1: {  	_ = 	snop  }
0xc2: {  	[hbm4b:s7+s2] =	stream.linear.scatter [tilespmem:s2], [sflag:$0x4], $0x8000, $0x38;
	[tilespmem:$0x18000] =	vst v63  }
0xc3: {  	_ = 	snop  }
0xc4: {  	[hbm4b:s8+s2] =	stream.linear.scatter [tilespmem:s2], [sflag:$0x4], $0x8000, $0x38;
	[tilespmem:$0x18000] =	vst v63  }
0xc5: {  	_ = 	snop  }
0xc6: {  	[hbm4b:s9+s2] =	stream.linear.scatter [tilespmem:s2], [sflag:$0x4], $0x8000, $0x38;
	[tilespmem:$0x18000] =	vst v63  }
0xc7: {  	_ = 	snop  }
0xc8: {  	[hbm4b:s19+s2] =	stream.linear.scatter [tilespmem:s2], [sflag:$0x4], $0x8000, $0x38;
	[tilespmem:$0x18000] =	vst v63  }
0xc9: {  	_ = 	snop  }
0xca: {  	[hbm4b:s21+s2] =	stream.linear.scatter [tilespmem:s2], [sflag:$0x4], $0x8000, $0x38;
	[tilespmem:$0x18000] =	vst v63  }
0xcb: {  	_ = 	snop  }
0xcc: {  	[hbm4b:s23+s2] =	stream.linear.scatter [tilespmem:s2], [sflag:$0x4], $0x8000, $0x38;
	[tilespmem:$0x18000] =	vst v63  }
0xcd: {  	_ = 	snop  }
0xce: {  	[hbm4b:s25+s2] =	stream.linear.scatter [tilespmem:s2], [sflag:$0x4], $0x8000, $0x38;
	[tilespmem:$0x18000] =	vst v63  }
0xcf: {  	_ = 	snop  }
0xd0: {  	[hbm4b:s28+s2] =	stream.linear.scatter [tilespmem:s2], [sflag:$0x4], $0x8000, $0x38;
	[tilespmem:$0x18000] =	vst v63  }
0xd1: {  	_ = 	snop  }
0xd2: {  	[hbm4b:s30+s2] =	stream.linear.scatter [tilespmem:s2], [sflag:$0x4], $0x8000, $0x38;
	[tilespmem:$0x18000] =	vst v63  }
0xd3: {  	_ = 	snop  }
0xd4: {  	[hbm4b:s0+s2] =	stream.linear.scatter [tilespmem:s2], [sflag:$0x4], $0x8000, $0x38;
	[tilespmem:$0x18000] =	vst v63  }
0xd5: {  	_ =	swait.ge [sflag:s26], $0x8000  }
0xd6: {  	[sflag:s26] =	ssyncset.done $0x0  }
0xd7: {  	[sflag:s26] =	ssyncadd.s32 $0xFFFF8000  }
0xd8: {  	_ =	swait.ge [sflag:s26], $0x8000  }
0xd9: {  	[sflag:s26] =	ssyncset.done $0x0  }
0xda: {  	[sflag:s26] =	ssyncadd.s32 $0xFFFF8000  }
0xdb: {  	_ =	swait.ge [sflag:s26], $0x8000  }
0xdc: {  	[sflag:s26] =	ssyncset.done $0x0  }
0xdd: {  	[sflag:s26] =	ssyncadd.s32 $0xFFFF8000  }
0xde: {  	_ =	swait.ge [sflag:s26], $0x8000  }
0xdf: {  	[sflag:s26] =	ssyncset.done $0x0  }
0xe0: {  	[sflag:s26] =	ssyncadd.s32 $0xFFFF8000  }
0xe1: {  	_ =	swait.ge [sflag:s26], $0x8000  }
0xe2: {  	[sflag:s26] =	ssyncset.done $0x0  }
0xe3: {  	[sflag:s26] =	ssyncadd.s32 $0xFFFF8000  }
0xe4: {  	_ =	swait.ge [sflag:s26], $0x8000  }
0xe5: {  	[sflag:s26] =	ssyncset.done $0x0  }
0xe6: {  	[sflag:s26] =	ssyncadd.s32 $0xFFFF8000  }
0xe7: {  	_ =	swait.ge [sflag:s26], $0x8000  }
0xe8: {  	[sflag:s26] =	ssyncset.done $0x0  }
0xe9: {  	[sflag:s26] =	ssyncadd.s32 $0xFFFF8000  }
0xea: {  	_ =	swait.ge [sflag:s26], $0x8000  }
0xeb: {  	[sflag:s26] =	ssyncset.done $0x0  }
0xec: {  	[sflag:s26] =	ssyncadd.s32 $0xFFFF8000  }
0xed: {  	_ =	swait.ge [sflag:s26], $0x8000  }
0xee: {  	[sflag:s26] =	ssyncset.done $0x0  }
0xef: {  	[sflag:s26] =	ssyncadd.s32 $0xFFFF8000  }
0xf0: {  	_ =	swait.ge [sflag:s26], $0x8000  }
0xf1: {  	[sflag:s26] =	ssyncset.done $0x0  }
0xf2: {  	[sflag:s26] =	ssyncadd.s32 $0xFFFF8000  }
0xf3: {  	_ =	swait.ge [sflag:s26], $0x8000  }
0xf4: {  	[sflag:s26] =	ssyncset.done $0x0  }
0xf5: {  	[sflag:s26] =	ssyncadd.s32 $0xFFFF8000  }
0xf6: {  	_ =	swait.ge [sflag:s26], $0x8000  }
0xf7: {  	[sflag:s26] =	ssyncset.done $0x0  }
0xf8: {  	[sflag:s26] =	ssyncadd.s32 $0xFFFF8000  }
0xf9: {  	_ =	swait.ge [sflag:s26], $0x8000  }
0xfa: {  	[sflag:s26] =	ssyncset.done $0x0  }
0xfb: {  	[sflag:s26] =	ssyncadd.s32 $0xFFFF8000  }
0xfc: {  	_ =	swait.ge [sflag:s26], $0x8000  }
0xfd: {  	[sflag:s26] =	ssyncset.done $0x0  }
0xfe: {  	[sflag:s26] =	ssyncadd.s32 $0xFFFF8000  }
0xff: {  	_ =	swait.ge [sflag:s26], $0x8000  }
0x100: {  	[sflag:s26] =	ssyncset.done $0x0  }
0x101: {  	s29 =	simm.s32 @p0 $0x0;
	s31 =	simm.s32 @p0 $0x4;
	[sflag:s26] =	ssyncadd.s32 $0xFFFF8000  }
0x102: {  	[hbm4b:s18+s29] =	stream.linear.scatter @p0 [tilespmem:s29], [sflag:$0x4], $0x7E00, $0x38;
	[tilespmem:$0x18000] =	vst v63  }
0x103: {  	_ =	swait.ge @p0 [sflag:s31], $0x7E00  }
0x104: {  	[sflag:s31] =	ssyncset.done @p0 $0x0  }
0x105: {  	s10 =	rddreg [dreg:$0x4];
	[sflag:s31] =	ssyncadd.s32 @p0 $0xFFFF8200;
	s31 =	simm.s32 @p0 $0x8000  }
0x106: {  	[tilespmem:s31], [sflag:$0x2] =	stream.linear.gather @p0 [hbm4b:s10+s29], $0x200, $0x38;
	[tilespmem:$0x18000] =	vst v63  }
0x107: {  	s10 =	simm.s32 @p0 $0x2  }
0x108: {  	_ =	swait.ge @p0 [sflag:s10], $0x200  }
0x109: {  	[sflag:s10] =	ssyncset.done @p0 $0x0  }
0x10a: {  	[sflag:s10] =	ssyncadd.s32 @p0 $0xFFFFFE00;
	s10 =	simm.s32 @p0 $0x5  }
0x10b: {  	[hbm4b:s11+s29] =	stream.linear.scatter @p0 [tilespmem:s31], [sflag:$0x5], $0x200, $0x38;
	[tilespmem:$0x18000] =	vst v63  }
0x10c: {  	_ =	swait.ge @p0 [sflag:s10], $0x200  }
0x10d: {  	[sflag:s10] =	ssyncset.done @p0 $0x0  }
0x10e: {  	[sflag:s10] =	ssyncadd.s32 @p0 $0xFFFFFE00;
	s10 =	simm.s32 @!p0 $0x0  }
0x10f: {  	[hbm4b:s20+s10] =	stream.linear.scatter @!p0 [tilespmem:s10], [sflag:$0x4], $0x8000, $0x38;
	[tilespmem:$0x18000] =	vst v63  }
.Ltmp3:
0x110: {  	_ = 	snop;
	(pc) =	sbr.rel .LBB2_4-.Ltmp3, $4  }
0x111: {  	s10 =	simm.s32 @!p0 $0x4  }
0x112: {  	_ =	swait.ge @!p0 [sflag:s10], $0x8000  }
0x113: {  	[sflag:s10] =	ssyncset.done @!p0 $0x0  }
0x114: {  	[sflag:s10] =	ssyncadd.s32 @!p0 $0xFFFF8000  }
.LBB2_5:
0x115: {  	_ =	sfence.sel $0x180000  }
0x116: {  	[bflag:$0x0] =	sbarrier.arrive $0xFFFF  }
0x117: {  	_ =	strace $0x90000047  }
0x118: {  	s0 =	stileid.u32;
	[bflag:$0x2] =	sbarrier.arrive $0xFFFF  }
0x119: {  	p0 =	sne.s32 s0, $0x0;
	s0 =	rddreg [dreg:$0x3]  }
0x11a: {  	s0 =	sadd.s32 @!p0 $0x100000, s0  }
0x11b: {  	[sflag:s0] =	ssyncadd.tile.s32 @!p0 $0x1;
	_ =	shalt  }
.Lfunc_end2:
_tile_overlayer_lowered:
.L_overlay_start_2:
0x11c: {  	(tag) =	ssettag $0x2  }
0x11d: {  	s0 =	rddreg [dreg:$0x0];
	s2 =	stileid.u32  }
0x11e: {  	s1 =	rddreg [dreg:$0x1];
	p0 =	sne.s32 s2, $0x0  }
0x11f: {  	s3 =	rddreg [dreg:$0x2];
	[bflag:$0x3] =	sbarrier.arrive $0xFFFF;
	s2 =	simm.s32 @!p0 $0x1C07  }
0x120: {  	[timem:s3], [sflag:s2] =	dma.local @!p0 [hbm:s0], s1  }
0x121: {  	s0 =	simm.s32 @!p0 $0x7  }
0x122: {  	_ =	swait.ge @!p0 [sflag:s0], s1  }
0x123: {  	s1 =	ssub.s32 @!p0 $0x0, s1;
	[sflag:s0] =	ssyncset.done @!p0 $0x0  }
0x124: {  	[sflag:s0] =	ssyncadd.s32 @!p0 s1  }
0x125: {  	[bflag:$0x3] =	sbarrier.arrive $0xFFFF  }
0x126: {  	_ =	shalt  }

</sc_bundles>
